<compile_context>
chip_gen: v7x
topology: tpu7x:2x2x1
jax: 0.10.2.dev20260603
libtpu: 0.0.44.dev20260713+nightly
codegen_flags: <defaults>
</compile_context>

<pallas_src>
import functools

import jax
import jax.numpy as jnp
from jax import lax
from jax.experimental import pallas as pl
from jax.experimental.pallas import tpu as pltpu
from jax.experimental.pallas import tpu_sc as plsc

B = 512
C = 17
T = 406
D = 10

NUM_CORES = 2
NUM_SUBCORES = 16
B_HALF = B // 2


def _loss_body(lab_unused, w_ref, xt_ref, pt_ref, lossT_ref, wn_ref):
    d = pl.program_id(0)

    @pl.when(d == 0)
    def _prep():
        sw = jax.nn.softplus(w_ref[...])
        wn_ref[...] = sw / jnp.sum(sw)

    sel = (lax.broadcasted_iota(jnp.int32, (1, D), 1) == d).astype(jnp.float32)
    wd_col = jnp.sum(wn_ref[...] * sel, axis=1, keepdims=True)

    xd = xt_ref[0]
    ptd = pt_ref[0]
    ad = xd * wd_col
    t2 = lax.dot_general(ptd, ad, (((1,), (0,)), ((), ())),
                         preferred_element_type=jnp.float32)
    t1 = jnp.sum(ad * xd, axis=0, keepdims=True)
    t3 = lax.dot_general(ptd * ptd, wd_col, (((1,), (0,)), ((), ())),
                         preferred_element_type=jnp.float32)
    contrib = t1 - 2.0 * t2 + t3

    @pl.when(d == 0)
    def _init():
        lossT_ref[...] = contrib

    @pl.when(d > 0)
    def _acc():
        lossT_ref[...] += contrib


@functools.cache
def _gather_sc():
    mesh = plsc.VectorSubcoreMesh(core_axis_name="c", subcore_axis_name="s")

    @functools.partial(
        pl.kernel, mesh=mesh,
        compiler_params=pltpu.CompilerParams(use_tc_tiling_on_sc=True,
                                             needs_layout_passes=False),
        out_type=jax.ShapeDtypeStruct((D, T, B), jnp.float32),
        scratch_types=[
            pltpu.VMEM((B_HALF,), jnp.int32),
            pltpu.VMEM((C, T), jnp.float32),
            pltpu.VMEM((T, B_HALF), jnp.float32),
        ],
    )
    def gather(pt_hbm, lab_hbm, out_hbm, lab_v, tab_v, buf_v):
        wid = lax.axis_index("s") * NUM_CORES + lax.axis_index("c")

        @pl.when(wid < 2 * D)
        def _work():
            d = wid // 2
            b0 = (wid - d * 2) * B_HALF
            pltpu.sync_copy(lab_hbm.at[pl.ds(b0, B_HALF)], lab_v)
            pltpu.sync_copy(pt_hbm.at[d], tab_v)

            idxs = [lab_v[pl.ds(j * 16, 16)] for j in range(B_HALF // 16)]
            zi = jnp.zeros((16,), jnp.int32)

            @plsc.parallel_loop(0, T)
            def _t_body(t):
                t16 = zi + t
                for j, idx in enumerate(idxs):
                    buf_v[t, pl.ds(j * 16, 16)] = plsc.load_gather(tab_v, [idx, t16])

            pltpu.sync_copy(buf_v, out_hbm.at[d, :, pl.ds(b0, B_HALF)])

    return gather


def kernel(input_seq, label, mask, prototypes, weights):
    xt3 = jnp.transpose(input_seq, (2, 1, 0))
    pt3 = jnp.transpose(prototypes, (2, 0, 1))
    lab2 = label.reshape(1, B)

    lossT = pl.pallas_call(
        _loss_body,
        grid=(D,),
        in_specs=[
            pl.BlockSpec((1, B), lambda d: (0, 0)),
            pl.BlockSpec((T, D), lambda d: (0, 0)),
            pl.BlockSpec((1, T, B), lambda d: (d, 0, 0)),
            pl.BlockSpec((1, C, T), lambda d: (d, 0, 0)),
        ],
        out_specs=pl.BlockSpec((C, B), lambda d: (0, 0)),
        out_shape=jax.ShapeDtypeStruct((C, B), jnp.float32),
        scratch_shapes=[pltpu.VMEM((T, D), jnp.float32)],
    )(lab2, weights, xt3, pt3)

    outT = _gather_sc()(pt3, label)

    loss = lossT.T
    output_seq = jnp.transpose(outT, (2, 1, 0))
    return (output_seq, input_seq, loss, label, label, mask)

# --- scband reference (transcript-rebuilt; emitter-appended) ---
"""Pipeline reference for scband-upssits-39350490366325 (READ-ONLY COPY).

The authoritative reference and input builder live on the scoring server;
editing this copy changes nothing except your own understanding.
"""

import jax, jax.numpy as jnp
import numpy as np

B = 512
C = 17
K = 1
T = 406
D = 10


def setup_inputs(seed: int = 0) -> dict:
    key = jax.random.key(seed)
    k1, k2, k3 = jax.random.split(key, 3)
    input_seq = jax.random.normal(k1, (B, T, D), dtype=jnp.float32)
    label = jax.random.randint(k2, (B,), 0, C, dtype=jnp.int64)
    mask = jnp.ones((B, T), dtype=jnp.float32)
    prototypes = jax.random.normal(k3, (C, T, D), dtype=jnp.float32)
    weights = jnp.ones((T, D), dtype=jnp.float32) * (1.0 / (T * D))
    return {"input_seq": input_seq, "label": label, "mask": mask,
            "prototypes": prototypes, "weights": weights}


def reference(input_seq, label, mask, prototypes, weights):
    # Faithful translation of UPSSITS.forward with loss='recons'.
    Bsz = input_seq.shape[0]
    label2 = label[:, None]                                   # [B,1]
    mask_e = mask[:, None, :, None]                           # [B,1,T,1] broadcast over prototypes
    x = input_seq[:, None, :, :]                              # [B,1,T,D]
    protos = prototypes[None, :, :, :]                        # [1,P,T,D] with P = C*K
    # weighted masked reconstruction distance (criterion for 'recons')
    sw = jax.nn.softplus(weights)                             # [T,D]
    w_norm = sw / jnp.sum(sw)                                 # expand+normalize over (T,D)
    distances = jnp.sum(mask_e * (x - protos) ** 2 * w_norm[None, None], axis=(2, 3))  # [B,P]
    distances = distances.reshape(Bsz, C, K)
    loss = jnp.min(distances, axis=2)                         # [B,C]
    predictions = jnp.argmin(distances, axis=2)               # [B,C]
    idx = jnp.take_along_axis(predictions, label2, axis=1)    # [B,1]
    idx = label2 * K + idx                                    # prototype index per sample
    # gather selected prototype (codebook lookup)
    output_seq = jnp.take(prototypes.reshape(C * K, T, D), idx[:, 0], axis=0)  # [B,T,D]
    indices_out = idx[:, 0] // K                              # [B]
    return (output_seq, input_seq, loss, indices_out, label, mask)

if __name__ == "__main__":
    import jax
    _d = setup_inputs()
    print(jax.jit(kernel)(*tuple(_d.values())))

</pallas_src>

<mosaic_0001>
#map = affine_map<(d0, d1) -> (0, 0, 0)>
#map1 = affine_map<(d0, d1) -> (0)>
module attributes {stable_mosaic.version = 14 : i64} {
  func.func @gather(%arg0: i32, %arg1: i32, %arg2: memref<10x17x406xf32, #tpu.memory_space<hbm>>, %arg3: memref<512xi32, #tpu.memory_space<hbm>>, %arg4: memref<10x406x512xf32, #tpu.memory_space<hbm>>, %arg5: memref<256xi32, #tpu.memory_space<vmem>>, %arg6: memref<17x406xf32, #tpu.memory_space<vmem>>, %arg7: memref<406x256xf32, #tpu.memory_space<vmem>>) attributes {dimension_semantics = [#tpu.dimension_semantics<core_parallel>, #tpu.dimension_semantics<subcore_parallel>], iteration_bounds = array<i64: 2, 16>, scalar_prefetch = 0 : i64, scratch_operands = 3 : i64, tpu.core_type = #tpu.core_type<sc_vector_subcore>, window_params = [{transform_indices = #map}, {transform_indices = #map1}, {transform_indices = #map}]} {
    %mul3A = arith.constant 2 : i32
    %mul3A_0 = arith.muli %arg1, %mul3A : i32
    %add3A = arith.addi %mul3A_0, %arg0 : i32
    %lt3A = arith.constant 20 : i32
    %lt3A_1 = arith.cmpi slt, %add3A, %lt3A : i32
    %convert_element_type3A = arith.extui %lt3A_1 : i1 to i32
    %cond3A = arith.constant 0 : i32
    %cond3A_2 = arith.cmpi ne, %convert_element_type3A, %cond3A : i32
    scf.if %cond3A_2 {
      %jit3A = arith.constant 2 : i32
      %div3A = arith.divsi %add3A, %jit3A : i32
      %sign3A = arith.constant 0 : i32
      %sign3A_3 = arith.cmpi sgt, %add3A, %sign3A : i32
      %sign3A_4 = arith.extui %sign3A_3 : i1 to i32
      %sign3A_5 = arith.constant 0 : i32
      %sign3A_6 = arith.cmpi slt, %add3A, %sign3A_5 : i32
      %sign3A_7 = arith.extui %sign3A_6 : i1 to i32
      %sign3A_8 = arith.subi %sign3A_4, %sign3A_7 : i32
      %sign3A_9 = arith.constant 0 : i32
      %sign3A_10 = arith.cmpi sgt, %jit3A, %sign3A_9 : i32
      %sign3A_11 = arith.extui %sign3A_10 : i1 to i32
      %sign3A_12 = arith.constant 0 : i32
      %sign3A_13 = arith.cmpi slt, %jit3A, %sign3A_12 : i32
      %sign3A_14 = arith.extui %sign3A_13 : i1 to i32
      %sign3A_15 = arith.subi %sign3A_11, %sign3A_14 : i32
      %ne3A = arith.cmpi ne, %sign3A_8, %sign3A_15 : i32
      %rem3A = arith.remsi %add3A, %jit3A : i32
      %ne3A_16 = arith.constant 0 : i32
      %ne3A_17 = arith.cmpi ne, %rem3A, %ne3A_16 : i32
      %and3A = arith.andi %ne3A, %ne3A_17 : i1
      %sub3A = arith.constant 1 : i32
      %sub3A_18 = arith.subi %div3A, %sub3A : i32
      %select_n3A = arith.select %and3A, %sub3A_18, %div3A : i32
      %mul3A_19 = arith.constant 2 : i32
      %mul3A_20 = arith.muli %select_n3A, %mul3A_19 : i32
      %sub3A_21 = arith.subi %add3A, %mul3A_20 : i32
      %mul3A_22 = arith.constant 256 : i32
      %mul3A_23 = arith.muli %sub3A_21, %mul3A_22 : i32
      "tpu.region"() ({
        %run_scoped3A = tpu.sem_alloc : memref<!tpu.dma_semaphore, #tpu.memory_space<semaphore_mem>>
        %dma_start3A = tpu.memref_slice %arg3[%mul3A_23] : memref<512xi32, #tpu.memory_space<hbm>> -> memref<256xi32, #tpu.memory_space<hbm>>
        %dma_start3A_58 = tpu.memref_slice %arg3[%mul3A_23] : memref<512xi32, #tpu.memory_space<hbm>> -> memref<256xi32, #tpu.memory_space<hbm>>
        tpu.enqueue_dma source(%dma_start3A_58 : memref<256xi32, #tpu.memory_space<hbm>>) target(%arg5 : memref<256xi32, #tpu.memory_space<vmem>>) target_semaphore(%run_scoped3A : memref<!tpu.dma_semaphore, #tpu.memory_space<semaphore_mem>>)
        %dma_wait3A = tpu.memref_slice %arg3[%mul3A_23] : memref<512xi32, #tpu.memory_space<hbm>> -> memref<256xi32, #tpu.memory_space<hbm>>
        %dma_wait3A_59 = tpu.memref_slice %arg3[%mul3A_23] : memref<512xi32, #tpu.memory_space<hbm>> -> memref<256xi32, #tpu.memory_space<hbm>>
        tpu.wait_dma2 semaphore(%run_scoped3A : memref<!tpu.dma_semaphore, #tpu.memory_space<semaphore_mem>>) src(%dma_wait3A_59 : memref<256xi32, #tpu.memory_space<hbm>>) dst(%arg5 : memref<256xi32, #tpu.memory_space<vmem>>)
        tpu.yield
      }) : () -> ()
      "tpu.region"() ({
        %run_scoped3A = tpu.sem_alloc : memref<!tpu.dma_semaphore, #tpu.memory_space<semaphore_mem>>
        %dma_start3A = arith.constant 0 : i32
        %dma_start3A_58 = arith.constant 0 : i32
        %dma_start3A_59 = tpu.memref_slice %arg2[%select_n3A, %dma_start3A, %dma_start3A_58] : memref<10x17x406xf32, #tpu.memory_space<hbm>> -> memref<1x17x406xf32, #tpu.memory_space<hbm>>
        %dma_start3A_60 = tpu.memref_squeeze %dma_start3A_59 : memref<1x17x406xf32, #tpu.memory_space<hbm>> -> memref<17x406xf32, #tpu.memory_space<hbm>>
        %dma_start3A_61 = arith.constant 0 : i32
        %dma_start3A_62 = arith.constant 0 : i32
        %dma_start3A_63 = tpu.memref_slice %arg2[%select_n3A, %dma_start3A_61, %dma_start3A_62] : memref<10x17x406xf32, #tpu.memory_space<hbm>> -> memref<1x17x406xf32, #tpu.memory_space<hbm>>
        %dma_start3A_64 = tpu.memref_squeeze %dma_start3A_63 : memref<1x17x406xf32, #tpu.memory_space<hbm>> -> memref<17x406xf32, #tpu.memory_space<hbm>>
        tpu.enqueue_dma source(%dma_start3A_64 : memref<17x406xf32, #tpu.memory_space<hbm>>) target(%arg6 : memref<17x406xf32, #tpu.memory_space<vmem>>) target_semaphore(%run_scoped3A : memref<!tpu.dma_semaphore, #tpu.memory_space<semaphore_mem>>)
        %dma_wait3A = arith.constant 0 : i32
        %dma_wait3A_65 = arith.constant 0 : i32
        %dma_wait3A_66 = tpu.memref_slice %arg2[%select_n3A, %dma_wait3A, %dma_wait3A_65] : memref<10x17x406xf32, #tpu.memory_space<hbm>> -> memref<1x17x406xf32, #tpu.memory_space<hbm>>
        %dma_wait3A_67 = tpu.memref_squeeze %dma_wait3A_66 : memref<1x17x406xf32, #tpu.memory_space<hbm>> -> memref<17x406xf32, #tpu.memory_space<hbm>>
        %dma_wait3A_68 = arith.constant 0 : i32
        %dma_wait3A_69 = arith.constant 0 : i32
        %dma_wait3A_70 = tpu.memref_slice %arg2[%select_n3A, %dma_wait3A_68, %dma_wait3A_69] : memref<10x17x406xf32, #tpu.memory_space<hbm>> -> memref<1x17x406xf32, #tpu.memory_space<hbm>>
        %dma_wait3A_71 = tpu.memref_squeeze %dma_wait3A_70 : memref<1x17x406xf32, #tpu.memory_space<hbm>> -> memref<17x406xf32, #tpu.memory_space<hbm>>
        tpu.wait_dma2 semaphore(%run_scoped3A : memref<!tpu.dma_semaphore, #tpu.memory_space<semaphore_mem>>) src(%dma_wait3A_71 : memref<17x406xf32, #tpu.memory_space<hbm>>) dst(%arg6 : memref<17x406xf32, #tpu.memory_space<vmem>>)
        tpu.yield
      }) : () -> ()
      %get3A = arith.constant 0 : index
      %get3A_24 = tpu.vector_load %arg5[%get3A] {strides = array<i32>} : memref<256xi32, #tpu.memory_space<vmem>>, vector<16xi32>,
      %get3A_25 = arith.constant 16 : index
      %get3A_26 = tpu.vector_load %arg5[%get3A_25] {strides = array<i32>} : memref<256xi32, #tpu.memory_space<vmem>>, vector<16xi32>,
      %get3A_27 = arith.constant 32 : index
      %get3A_28 = tpu.vector_load %arg5[%get3A_27] {strides = array<i32>} : memref<256xi32, #tpu.memory_space<vmem>>, vector<16xi32>,
      %get3A_29 = arith.constant 48 : index
      %get3A_30 = tpu.vector_load %arg5[%get3A_29] {strides = array<i32>} : memref<256xi32, #tpu.memory_space<vmem>>, vector<16xi32>,
      %get3A_31 = arith.constant 64 : index
      %get3A_32 = tpu.vector_load %arg5[%get3A_31] {strides = array<i32>} : memref<256xi32, #tpu.memory_space<vmem>>, vector<16xi32>,
      %get3A_33 = arith.constant 80 : index
      %get3A_34 = tpu.vector_load %arg5[%get3A_33] {strides = array<i32>} : memref<256xi32, #tpu.memory_space<vmem>>, vector<16xi32>,
      %get3A_35 = arith.constant 96 : index
      %get3A_36 = tpu.vector_load %arg5[%get3A_35] {strides = array<i32>} : memref<256xi32, #tpu.memory_space<vmem>>, vector<16xi32>,
      %get3A_37 = arith.constant 112 : index
      %get3A_38 = tpu.vector_load %arg5[%get3A_37] {strides = array<i32>} : memref<256xi32, #tpu.memory_space<vmem>>, vector<16xi32>,
      %get3A_39 = arith.constant 128 : index
      %get3A_40 = tpu.vector_load %arg5[%get3A_39] {strides = array<i32>} : memref<256xi32, #tpu.memory_space<vmem>>, vector<16xi32>,
      %get3A_41 = arith.constant 144 : index
      %get3A_42 = tpu.vector_load %arg5[%get3A_41] {strides = array<i32>} : memref<256xi32, #tpu.memory_space<vmem>>, vector<16xi32>,
      %get3A_43 = arith.constant 160 : index
      %get3A_44 = tpu.vector_load %arg5[%get3A_43] {strides = array<i32>} : memref<256xi32, #tpu.memory_space<vmem>>, vector<16xi32>,
      %get3A_45 = arith.constant 176 : index
      %get3A_46 = tpu.vector_load %arg5[%get3A_45] {strides = array<i32>} : memref<256xi32, #tpu.memory_space<vmem>>, vector<16xi32>,
      %get3A_47 = arith.constant 192 : index
      %get3A_48 = tpu.vector_load %arg5[%get3A_47] {strides = array<i32>} : memref<256xi32, #tpu.memory_space<vmem>>, vector<16xi32>,
      %get3A_49 = arith.constant 208 : index
      %get3A_50 = tpu.vector_load %arg5[%get3A_49] {strides = array<i32>} : memref<256xi32, #tpu.memory_space<vmem>>, vector<16xi32>,
      %get3A_51 = arith.constant 224 : index
      %get3A_52 = tpu.vector_load %arg5[%get3A_51] {strides = array<i32>} : memref<256xi32, #tpu.memory_space<vmem>>, vector<16xi32>,
      %get3A_53 = arith.constant 240 : index
      %get3A_54 = tpu.vector_load %arg5[%get3A_53] {strides = array<i32>} : memref<256xi32, #tpu.memory_space<vmem>>, vector<16xi32>,
      %broadcast_in_dim3A = arith.constant 0 : i32
      %broadcast_in_dim3A_55 = vector.broadcast %broadcast_in_dim3A : i32 to vector<16xi32>
      %parallel_loop3A = arith.constant 0 : i32
      %parallel_loop3A_56 = arith.constant 406 : i32
      %parallel_loop3A_57 = arith.constant 1 : i32
      scf.for %parallel_loop3A_58 = %parallel_loop3A to %parallel_loop3A_56 step %parallel_loop3A_57  : i32 {
        %parallel_loop3A_59 = vector.broadcast %parallel_loop3A_58 : i32 to vector<16xi32>
        %parallel_loop3A_60 = arith.addi %broadcast_in_dim3A_55, %parallel_loop3A_59 : vector<16xi32>
        %parallel_loop3A_61 = tpu.vector_load_idx %arg6[%get3A_24, %parallel_loop3A_60] : memref<17x406xf32, #tpu.memory_space<vmem>>[vector<16xi32>, vector<16xi32>], vector<16xf32>,
        %parallel_loop3A_62 = arith.index_cast %parallel_loop3A_58 : i32 to index
        %parallel_loop3A_63 = arith.constant 0 : index
        %parallel_loop3A_64 = tpu.vector_load %arg7[%parallel_loop3A_62, %parallel_loop3A_63] {strides = array<i32>} : memref<406x256xf32, #tpu.memory_space<vmem>>, vector<16xf32>,
        tpu.vector_store %arg7[%parallel_loop3A_62, %parallel_loop3A_63], %parallel_loop3A_61 {strides = array<i32>} : memref<406x256xf32, #tpu.memory_space<vmem>>, vector<16xf32>,
        %parallel_loop3A_65 = tpu.vector_load_idx %arg6[%get3A_26, %parallel_loop3A_60] : memref<17x406xf32, #tpu.memory_space<vmem>>[vector<16xi32>, vector<16xi32>], vector<16xf32>,
        %parallel_loop3A_66 = arith.index_cast %parallel_loop3A_58 : i32 to index
        %parallel_loop3A_67 = arith.constant 16 : index
        %parallel_loop3A_68 = tpu.vector_load %arg7[%parallel_loop3A_66, %parallel_loop3A_67] {strides = array<i32>} : memref<406x256xf32, #tpu.memory_space<vmem>>, vector<16xf32>,
        tpu.vector_store %arg7[%parallel_loop3A_66, %parallel_loop3A_67], %parallel_loop3A_65 {strides = array<i32>} : memref<406x256xf32, #tpu.memory_space<vmem>>, vector<16xf32>,
        %parallel_loop3A_69 = tpu.vector_load_idx %arg6[%get3A_28, %parallel_loop3A_60] : memref<17x406xf32, #tpu.memory_space<vmem>>[vector<16xi32>, vector<16xi32>], vector<16xf32>,
        %parallel_loop3A_70 = arith.index_cast %parallel_loop3A_58 : i32 to index
        %parallel_loop3A_71 = arith.constant 32 : index
        %parallel_loop3A_72 = tpu.vector_load %arg7[%parallel_loop3A_70, %parallel_loop3A_71] {strides = array<i32>} : memref<406x256xf32, #tpu.memory_space<vmem>>, vector<16xf32>,
        tpu.vector_store %arg7[%parallel_loop3A_70, %parallel_loop3A_71], %parallel_loop3A_69 {strides = array<i32>} : memref<406x256xf32, #tpu.memory_space<vmem>>, vector<16xf32>,
        %parallel_loop3A_73 = tpu.vector_load_idx %arg6[%get3A_30, %parallel_loop3A_60] : memref<17x406xf32, #tpu.memory_space<vmem>>[vector<16xi32>, vector<16xi32>], vector<16xf32>,
        %parallel_loop3A_74 = arith.index_cast %parallel_loop3A_58 : i32 to index
        %parallel_loop3A_75 = arith.constant 48 : index
        %parallel_loop3A_76 = tpu.vector_load %arg7[%parallel_loop3A_74, %parallel_loop3A_75] {strides = array<i32>} : memref<406x256xf32, #tpu.memory_space<vmem>>, vector<16xf32>,
        tpu.vector_store %arg7[%parallel_loop3A_74, %parallel_loop3A_75], %parallel_loop3A_73 {strides = array<i32>} : memref<406x256xf32, #tpu.memory_space<vmem>>, vector<16xf32>,
        %parallel_loop3A_77 = tpu.vector_load_idx %arg6[%get3A_32, %parallel_loop3A_60] : memref<17x406xf32, #tpu.memory_space<vmem>>[vector<16xi32>, vector<16xi32>], vector<16xf32>,
        %parallel_loop3A_78 = arith.index_cast %parallel_loop3A_58 : i32 to index
        %parallel_loop3A_79 = arith.constant 64 : index
        %parallel_loop3A_80 = tpu.vector_load %arg7[%parallel_loop3A_78, %parallel_loop3A_79] {strides = array<i32>} : memref<406x256xf32, #tpu.memory_space<vmem>>, vector<16xf32>,
        tpu.vector_store %arg7[%parallel_loop3A_78, %parallel_loop3A_79], %parallel_loop3A_77 {strides = array<i32>} : memref<406x256xf32, #tpu.memory_space<vmem>>, vector<16xf32>,
        %parallel_loop3A_81 = tpu.vector_load_idx %arg6[%get3A_34, %parallel_loop3A_60] : memref<17x406xf32, #tpu.memory_space<vmem>>[vector<16xi32>, vector<16xi32>], vector<16xf32>,
        %parallel_loop3A_82 = arith.index_cast %parallel_loop3A_58 : i32 to index
        %parallel_loop3A_83 = arith.constant 80 : index
        %parallel_loop3A_84 = tpu.vector_load %arg7[%parallel_loop3A_82, %parallel_loop3A_83] {strides = array<i32>} : memref<406x256xf32, #tpu.memory_space<vmem>>, vector<16xf32>,
        tpu.vector_store %arg7[%parallel_loop3A_82, %parallel_loop3A_83], %parallel_loop3A_81 {strides = array<i32>} : memref<406x256xf32, #tpu.memory_space<vmem>>, vector<16xf32>,
        %parallel_loop3A_85 = tpu.vector_load_idx %arg6[%get3A_36, %parallel_loop3A_60] : memref<17x406xf32, #tpu.memory_space<vmem>>[vector<16xi32>, vector<16xi32>], vector<16xf32>,
        %parallel_loop3A_86 = arith.index_cast %parallel_loop3A_58 : i32 to index
        %parallel_loop3A_87 = arith.constant 96 : index
        %parallel_loop3A_88 = tpu.vector_load %arg7[%parallel_loop3A_86, %parallel_loop3A_87] {strides = array<i32>} : memref<406x256xf32, #tpu.memory_space<vmem>>, vector<16xf32>,
        tpu.vector_store %arg7[%parallel_loop3A_86, %parallel_loop3A_87], %parallel_loop3A_85 {strides = array<i32>} : memref<406x256xf32, #tpu.memory_space<vmem>>, vector<16xf32>,
        %parallel_loop3A_89 = tpu.vector_load_idx %arg6[%get3A_38, %parallel_loop3A_60] : memref<17x406xf32, #tpu.memory_space<vmem>>[vector<16xi32>, vector<16xi32>], vector<16xf32>,
        %parallel_loop3A_90 = arith.index_cast %parallel_loop3A_58 : i32 to index
        %parallel_loop3A_91 = arith.constant 112 : index
        %parallel_loop3A_92 = tpu.vector_load %arg7[%parallel_loop3A_90, %parallel_loop3A_91] {strides = array<i32>} : memref<406x256xf32, #tpu.memory_space<vmem>>, vector<16xf32>,
        tpu.vector_store %arg7[%parallel_loop3A_90, %parallel_loop3A_91], %parallel_loop3A_89 {strides = array<i32>} : memref<406x256xf32, #tpu.memory_space<vmem>>, vector<16xf32>,
        %parallel_loop3A_93 = tpu.vector_load_idx %arg6[%get3A_40, %parallel_loop3A_60] : memref<17x406xf32, #tpu.memory_space<vmem>>[vector<16xi32>, vector<16xi32>], vector<16xf32>,
        %parallel_loop3A_94 = arith.index_cast %parallel_loop3A_58 : i32 to index
        %parallel_loop3A_95 = arith.constant 128 : index
        %parallel_loop3A_96 = tpu.vector_load %arg7[%parallel_loop3A_94, %parallel_loop3A_95] {strides = array<i32>} : memref<406x256xf32, #tpu.memory_space<vmem>>, vector<16xf32>,
        tpu.vector_store %arg7[%parallel_loop3A_94, %parallel_loop3A_95], %parallel_loop3A_93 {strides = array<i32>} : memref<406x256xf32, #tpu.memory_space<vmem>>, vector<16xf32>,
        %parallel_loop3A_97 = tpu.vector_load_idx %arg6[%get3A_42, %parallel_loop3A_60] : memref<17x406xf32, #tpu.memory_space<vmem>>[vector<16xi32>, vector<16xi32>], vector<16xf32>,
        %parallel_loop3A_98 = arith.index_cast %parallel_loop3A_58 : i32 to index
        %parallel_loop3A_99 = arith.constant 144 : index
        %parallel_loop3A_100 = tpu.vector_load %arg7[%parallel_loop3A_98, %parallel_loop3A_99] {strides = array<i32>} : memref<406x256xf32, #tpu.memory_space<vmem>>, vector<16xf32>,
        tpu.vector_store %arg7[%parallel_loop3A_98, %parallel_loop3A_99], %parallel_loop3A_97 {strides = array<i32>} : memref<406x256xf32, #tpu.memory_space<vmem>>, vector<16xf32>,
        %parallel_loop3A_101 = tpu.vector_load_idx %arg6[%get3A_44, %parallel_loop3A_60] : memref<17x406xf32, #tpu.memory_space<vmem>>[vector<16xi32>, vector<16xi32>], vector<16xf32>,
        %parallel_loop3A_102 = arith.index_cast %parallel_loop3A_58 : i32 to index
        %parallel_loop3A_103 = arith.constant 160 : index
        %parallel_loop3A_104 = tpu.vector_load %arg7[%parallel_loop3A_102, %parallel_loop3A_103] {strides = array<i32>} : memref<406x256xf32, #tpu.memory_space<vmem>>, vector<16xf32>,
        tpu.vector_store %arg7[%parallel_loop3A_102, %parallel_loop3A_103], %parallel_loop3A_101 {strides = array<i32>} : memref<406x256xf32, #tpu.memory_space<vmem>>, vector<16xf32>,
        %parallel_loop3A_105 = tpu.vector_load_idx %arg6[%get3A_46, %parallel_loop3A_60] : memref<17x406xf32, #tpu.memory_space<vmem>>[vector<16xi32>, vector<16xi32>], vector<16xf32>,
        %parallel_loop3A_106 = arith.index_cast %parallel_loop3A_58 : i32 to index
        %parallel_loop3A_107 = arith.constant 176 : index
        %parallel_loop3A_108 = tpu.vector_load %arg7[%parallel_loop3A_106, %parallel_loop3A_107] {strides = array<i32>} : memref<406x256xf32, #tpu.memory_space<vmem>>, vector<16xf32>,
        tpu.vector_store %arg7[%parallel_loop3A_106, %parallel_loop3A_107], %parallel_loop3A_105 {strides = array<i32>} : memref<406x256xf32, #tpu.memory_space<vmem>>, vector<16xf32>,
        %parallel_loop3A_109 = tpu.vector_load_idx %arg6[%get3A_48, %parallel_loop3A_60] : memref<17x406xf32, #tpu.memory_space<vmem>>[vector<16xi32>, vector<16xi32>], vector<16xf32>,
        %parallel_loop3A_110 = arith.index_cast %parallel_loop3A_58 : i32 to index
        %parallel_loop3A_111 = arith.constant 192 : index
        %parallel_loop3A_112 = tpu.vector_load %arg7[%parallel_loop3A_110, %parallel_loop3A_111] {strides = array<i32>} : memref<406x256xf32, #tpu.memory_space<vmem>>, vector<16xf32>,
        tpu.vector_store %arg7[%parallel_loop3A_110, %parallel_loop3A_111], %parallel_loop3A_109 {strides = array<i32>} : memref<406x256xf32, #tpu.memory_space<vmem>>, vector<16xf32>,
        %parallel_loop3A_113 = tpu.vector_load_idx %arg6[%get3A_50, %parallel_loop3A_60] : memref<17x406xf32, #tpu.memory_space<vmem>>[vector<16xi32>, vector<16xi32>], vector<16xf32>,
        %parallel_loop3A_114 = arith.index_cast %parallel_loop3A_58 : i32 to index
        %parallel_loop3A_115 = arith.constant 208 : index
        %parallel_loop3A_116 = tpu.vector_load %arg7[%parallel_loop3A_114, %parallel_loop3A_115] {strides = array<i32>} : memref<406x256xf32, #tpu.memory_space<vmem>>, vector<16xf32>,
        tpu.vector_store %arg7[%parallel_loop3A_114, %parallel_loop3A_115], %parallel_loop3A_113 {strides = array<i32>} : memref<406x256xf32, #tpu.memory_space<vmem>>, vector<16xf32>,
        %parallel_loop3A_117 = tpu.vector_load_idx %arg6[%get3A_52, %parallel_loop3A_60] : memref<17x406xf32, #tpu.memory_space<vmem>>[vector<16xi32>, vector<16xi32>], vector<16xf32>,
        %parallel_loop3A_118 = arith.index_cast %parallel_loop3A_58 : i32 to index
        %parallel_loop3A_119 = arith.constant 224 : index
        %parallel_loop3A_120 = tpu.vector_load %arg7[%parallel_loop3A_118, %parallel_loop3A_119] {strides = array<i32>} : memref<406x256xf32, #tpu.memory_space<vmem>>, vector<16xf32>,
        tpu.vector_store %arg7[%parallel_loop3A_118, %parallel_loop3A_119], %parallel_loop3A_117 {strides = array<i32>} : memref<406x256xf32, #tpu.memory_space<vmem>>, vector<16xf32>,
        %parallel_loop3A_121 = tpu.vector_load_idx %arg6[%get3A_54, %parallel_loop3A_60] : memref<17x406xf32, #tpu.memory_space<vmem>>[vector<16xi32>, vector<16xi32>], vector<16xf32>,
        %parallel_loop3A_122 = arith.index_cast %parallel_loop3A_58 : i32 to index
        %parallel_loop3A_123 = arith.constant 240 : index
        %parallel_loop3A_124 = tpu.vector_load %arg7[%parallel_loop3A_122, %parallel_loop3A_123] {strides = array<i32>} : memref<406x256xf32, #tpu.memory_space<vmem>>, vector<16xf32>,
        tpu.vector_store %arg7[%parallel_loop3A_122, %parallel_loop3A_123], %parallel_loop3A_121 {strides = array<i32>} : memref<406x256xf32, #tpu.memory_space<vmem>>, vector<16xf32>,
      } {sc.loop_unroll_factor = 1 : i64, sc.parallel_access}
      "tpu.region"() ({
        %run_scoped3A = tpu.sem_alloc : memref<!tpu.dma_semaphore, #tpu.memory_space<semaphore_mem>>
        %dma_start3A = arith.constant 0 : i32
        %dma_start3A_58 = tpu.memref_slice %arg4[%select_n3A, %dma_start3A, %mul3A_23] : memref<10x406x512xf32, #tpu.memory_space<hbm>> -> memref<1x406x256xf32, #tpu.memory_space<hbm>>
        %dma_start3A_59 = tpu.memref_squeeze %dma_start3A_58 : memref<1x406x256xf32, #tpu.memory_space<hbm>> -> memref<406x256xf32, #tpu.memory_space<hbm>>
        %dma_start3A_60 = arith.constant 0 : i32
        %dma_start3A_61 = tpu.memref_slice %arg4[%select_n3A, %dma_start3A_60, %mul3A_23] : memref<10x406x512xf32, #tpu.memory_space<hbm>> -> memref<1x406x256xf32, #tpu.memory_space<hbm>>
        %dma_start3A_62 = tpu.memref_squeeze %dma_start3A_61 : memref<1x406x256xf32, #tpu.memory_space<hbm>> -> memref<406x256xf32, #tpu.memory_space<hbm>>
        tpu.enqueue_dma source(%arg7 : memref<406x256xf32, #tpu.memory_space<vmem>>) target(%dma_start3A_62 : memref<406x256xf32, #tpu.memory_space<hbm>>) target_semaphore(%run_scoped3A : memref<!tpu.dma_semaphore, #tpu.memory_space<semaphore_mem>>)
        %dma_wait3A = arith.constant 0 : i32
        %dma_wait3A_63 = tpu.memref_slice %arg4[%select_n3A, %dma_wait3A, %mul3A_23] : memref<10x406x512xf32, #tpu.memory_space<hbm>> -> memref<1x406x256xf32, #tpu.memory_space<hbm>>
        %dma_wait3A_64 = tpu.memref_squeeze %dma_wait3A_63 : memref<1x406x256xf32, #tpu.memory_space<hbm>> -> memref<406x256xf32, #tpu.memory_space<hbm>>
        %dma_wait3A_65 = arith.constant 0 : i32
        %dma_wait3A_66 = tpu.memref_slice %arg4[%select_n3A, %dma_wait3A_65, %mul3A_23] : memref<10x406x512xf32, #tpu.memory_space<hbm>> -> memref<1x406x256xf32, #tpu.memory_space<hbm>>
        %dma_wait3A_67 = tpu.memref_squeeze %dma_wait3A_66 : memref<1x406x256xf32, #tpu.memory_space<hbm>> -> memref<406x256xf32, #tpu.memory_space<hbm>>
        tpu.wait_dma2 semaphore(%run_scoped3A : memref<!tpu.dma_semaphore, #tpu.memory_space<semaphore_mem>>) src(%arg7 : memref<406x256xf32, #tpu.memory_space<vmem>>) dst(%dma_wait3A_67 : memref<406x256xf32, #tpu.memory_space<hbm>>)
        tpu.yield
      }) : () -> ()
    } else {
    }
    return
  }
}

module attributes {stable_mosaic.version = 14 : i64} {
  func.func @_loss_body(%arg0: i32, %arg1: memref<1x512xi32, #tpu.memory_space<vmem>>, %arg2: memref<406x10xf32, #tpu.memory_space<vmem>>, %arg3: memref<1x406x512xf32, #tpu.memory_space<vmem>>, %arg4: memref<1x17x406xf32, #tpu.memory_space<vmem>>, %arg5: memref<17x512xf32, #tpu.memory_space<vmem>>, %arg6: memref<406x10xf32, #tpu.memory_space<vmem>>) attributes {dimension_semantics = [#tpu.dimension_semantics<arbitrary>], iteration_bounds = array<i64: 10>, scalar_prefetch = 0 : i64, scratch_operands = 1 : i64, tpu.core_type = #tpu.core_type<tc>, window_params = [{pipeline_mode = #tpu.pipeline_mode<synchronous>, transform_indices = @transform_0, window_bounds = array<i64: 1, 512>}, {pipeline_mode = #tpu.pipeline_mode<synchronous>, transform_indices = @transform_1, window_bounds = array<i64: 406, 10>}, {transform_indices = @transform_2, window_bounds = array<i64: 1, 406, 512>}, {transform_indices = @transform_3, window_bounds = array<i64: 1, 17, 406>}, {pipeline_mode = #tpu.pipeline_mode<synchronous>, transform_indices = @transform_4, window_bounds = array<i64: 17, 512>}]} {
    %eq3A = arith.constant 0 : i32
    %eq3A_0 = arith.cmpi eq, %arg0, %eq3A : i32
    %convert_element_type3A = arith.extui %eq3A_0 : i1 to i32
    %cond3A = arith.constant 0 : i32
    %cond3A_1 = arith.cmpi ne, %convert_element_type3A, %cond3A : i32
    scf.if %cond3A_1 {
      %get3A_44 = arith.constant 0 : index
      %get3A_45 = arith.constant 0 : index
      %get3A_46 = vector.load %arg2[%get3A_44, %get3A_45] : memref<406x10xf32, #tpu.memory_space<vmem>>, vector<406x10xf32>
      %custom_jvp_call3A = arith.constant 0.000000e+00 : f32
      %max3A = vector.broadcast %custom_jvp_call3A : f32 to vector<406x10xf32>
      %max3A_47 = arith.maximumf %get3A_46, %max3A : vector<406x10xf32>
      %sub3A_48 = vector.broadcast %custom_jvp_call3A : f32 to vector<406x10xf32>
      %sub3A_49 = arith.subf %get3A_46, %sub3A_48 : vector<406x10xf32>
      %ne3A = arith.cmpf one, %sub3A_49, %sub3A_49 : vector<406x10xf32>
      %add3A_50 = vector.broadcast %custom_jvp_call3A : f32 to vector<406x10xf32>
      %add3A_51 = arith.addf %get3A_46, %add3A_50 : vector<406x10xf32>
      %abs3A = math.absf %sub3A_49 : vector<406x10xf32>
      %neg3A = arith.constant 0.000000e+00 : f32
      %neg3A_52 = vector.broadcast %neg3A : f32 to vector<406x10xf32>
      %neg3A_53 = arith.subf %neg3A_52, %abs3A : vector<406x10xf32>
      %exp3A = math.exp %neg3A_53 : vector<406x10xf32>
      %log1p3A = math.log1p %exp3A : vector<406x10xf32>
      %add3A_54 = arith.addf %max3A_47, %log1p3A : vector<406x10xf32>
      %select_n3A = arith.select %ne3A, %add3A_51, %add3A_54 : vector<406x10xi1>, vector<406x10xf32>
      %reduce_sum3A_55 = vector.shape_cast %select_n3A : vector<406x10xf32> to vector<1x406x10xf32>
      %reduce_sum3A_56 = arith.constant dense<0.000000e+00> : vector<1xf32>
      %reduce_sum3A_57 = vector.multi_reduction <add>, %reduce_sum3A_55, %reduce_sum3A_56 [1, 2] : vector<1x406x10xf32> to vector<1xf32>
      %reduce_sum3A_58 = vector.shape_cast %reduce_sum3A_57 : vector<1xf32> to vector<1x1x1xf32>
      %reduce_sum3A_59 = vector.extract %reduce_sum3A_58[0, 0, 0] : f32 from vector<1x1x1xf32>
      %div3A = vector.broadcast %reduce_sum3A_59 : f32 to vector<406x10xf32>
      %div3A_60 = arith.divf %select_n3A, %div3A : vector<406x10xf32>
      %swap3A = arith.constant 0 : index
      %swap3A_61 = arith.constant 0 : index
      %swap3A_62 = vector.load %arg6[%swap3A, %swap3A_61] : memref<406x10xf32, #tpu.memory_space<vmem>>, vector<406x10xf32>
      tpu.vector_store %arg6[%swap3A, %swap3A_61], %div3A_60 {strides = array<i32>} : memref<406x10xf32, #tpu.memory_space<vmem>>, vector<406x10xf32>,
    } else {
    }
    %iota3A = tpu.iota {dimensions = array<i32: 1>} : vector<1x10xi32>
    %eq3A_2 = vector.broadcast %arg0 : i32 to vector<1x10xi32>
    %eq3A_3 = arith.cmpi eq, %iota3A, %eq3A_2 : vector<1x10xi32>
    %convert_element_type3A_4 = arith.extui %eq3A_3 : vector<1x10xi1> to vector<1x10xi32>
    %convert_element_type3A_5 = arith.sitofp %convert_element_type3A_4 : vector<1x10xi32> to vector<1x10xf32>
    %get3A = arith.constant 0 : index
    %get3A_6 = arith.constant 0 : index
    %get3A_7 = vector.load %arg6[%get3A, %get3A_6] : memref<406x10xf32, #tpu.memory_space<vmem>>, vector<406x10xf32>
    %mul3A = vector.broadcast %convert_element_type3A_5 : vector<1x10xf32> to vector<406x10xf32>
    %mul3A_8 = arith.mulf %get3A_7, %mul3A : vector<406x10xf32>
    %reduce_sum3A = arith.constant dense<0.000000e+00> : vector<406xf32>
    %reduce_sum3A_9 = vector.multi_reduction <add>, %mul3A_8, %reduce_sum3A [1] : vector<406x10xf32> to vector<406xf32>
    %broadcast_in_dim3A = vector.shape_cast %reduce_sum3A_9 : vector<406xf32> to vector<406x1xf32>
    %get3A_10 = arith.constant 0 : index
    %get3A_11 = arith.constant 0 : index
    %get3A_12 = arith.constant 0 : index
    %get3A_13 = vector.load %arg3[%get3A_10, %get3A_11, %get3A_12] : memref<1x406x512xf32, #tpu.memory_space<vmem>>, vector<1x406x512xf32>
    %get3A_14 = vector.shape_cast %get3A_13 : vector<1x406x512xf32> to vector<406x512xf32>
    %get3A_15 = arith.constant 0 : index
    %get3A_16 = arith.constant 0 : index
    %get3A_17 = arith.constant 0 : index
    %get3A_18 = vector.load %arg4[%get3A_15, %get3A_16, %get3A_17] : memref<1x17x406xf32, #tpu.memory_space<vmem>>, vector<1x17x406xf32>
    %get3A_19 = vector.shape_cast %get3A_18 : vector<1x17x406xf32> to vector<17x406xf32>
    %mul3A_20 = vector.broadcast %broadcast_in_dim3A : vector<406x1xf32> to vector<406x512xf32>
    %mul3A_21 = arith.mulf %get3A_14, %mul3A_20 : vector<406x512xf32>
    %dot_general3A = arith.constant dense<0.000000e+00> : vector<17x512xf32>
    %dot_general3A_22 = tpu.matmul %get3A_19, %mul3A_21, %dot_general3A {dimension_numbers = #tpu.dot_dimension_numbers<[1], [0], [0], [1], [0, 0, 1, 1], [], []>, transpose_lhs_hint = false} : vector<17x406xf32>, vector<406x512xf32>, vector<17x512xf32> -> vector<17x512xf32>
    %mul3A_23 = arith.mulf %mul3A_21, %get3A_14 : vector<406x512xf32>
    %reduce_sum3A_24 = arith.constant dense<0.000000e+00> : vector<512xf32>
    %reduce_sum3A_25 = vector.multi_reduction <add>, %mul3A_23, %reduce_sum3A_24 [0] : vector<406x512xf32> to vector<512xf32>
    %broadcast_in_dim3A_26 = vector.shape_cast %reduce_sum3A_25 : vector<512xf32> to vector<1x512xf32>
    %mul3A_27 = arith.mulf %get3A_19, %get3A_19 : vector<17x406xf32>
    %dot_general3A_28 = arith.constant dense<0.000000e+00> : vector<17x1xf32>
    %dot_general3A_29 = tpu.matmul %mul3A_27, %broadcast_in_dim3A, %dot_general3A_28 {dimension_numbers = #tpu.dot_dimension_numbers<[1], [0], [0], [1], [0, 0, 1, 1], [], []>, transpose_lhs_hint = false} : vector<17x406xf32>, vector<406x1xf32>, vector<17x1xf32> -> vector<17x1xf32>
    %mul3A_30 = arith.constant 2.000000e+00 : f32
    %mul3A_31 = vector.broadcast %mul3A_30 : f32 to vector<17x512xf32>
    %mul3A_32 = arith.mulf %mul3A_31, %dot_general3A_22 : vector<17x512xf32>
    %sub3A = vector.broadcast %broadcast_in_dim3A_26 : vector<1x512xf32> to vector<17x512xf32>
    %sub3A_33 = arith.subf %sub3A, %mul3A_32 : vector<17x512xf32>
    %add3A = vector.broadcast %dot_general3A_29 : vector<17x1xf32> to vector<17x512xf32>
    %add3A_34 = arith.addf %sub3A_33, %add3A : vector<17x512xf32>
    %eq3A_35 = arith.constant 0 : i32
    %eq3A_36 = arith.cmpi eq, %arg0, %eq3A_35 : i32
    %convert_element_type3A_37 = arith.extui %eq3A_36 : i1 to i32
    %cond3A_38 = arith.constant 0 : i32
    %cond3A_39 = arith.cmpi ne, %convert_element_type3A_37, %cond3A_38 : i32
    scf.if %cond3A_39 {
      %swap3A = arith.constant 0 : index
      %swap3A_44 = arith.constant 0 : index
      %swap3A_45 = vector.load %arg5[%swap3A, %swap3A_44] : memref<17x512xf32, #tpu.memory_space<vmem>>, vector<17x512xf32>
      tpu.vector_store %arg5[%swap3A, %swap3A_44], %add3A_34 {strides = array<i32>} : memref<17x512xf32, #tpu.memory_space<vmem>>, vector<17x512xf32>,
    } else {
    }
    %gt3A = arith.constant 0 : i32
    %gt3A_40 = arith.cmpi sgt, %arg0, %gt3A : i32
    %convert_element_type3A_41 = arith.extui %gt3A_40 : i1 to i32
    %cond3A_42 = arith.constant 0 : i32
    %cond3A_43 = arith.cmpi ne, %convert_element_type3A_41, %cond3A_42 : i32
    scf.if %cond3A_43 {
      %get3A_44 = arith.constant 0 : index
      %get3A_45 = arith.constant 0 : index
      %get3A_46 = vector.load %arg5[%get3A_44, %get3A_45] : memref<17x512xf32, #tpu.memory_space<vmem>>, vector<17x512xf32>
      %add3A_47 = arith.addf %get3A_46, %add3A_34 : vector<17x512xf32>
      %swap3A = arith.constant 0 : index
      %swap3A_48 = arith.constant 0 : index
      %swap3A_49 = vector.load %arg5[%swap3A, %swap3A_48] : memref<17x512xf32, #tpu.memory_space<vmem>>, vector<17x512xf32>
      tpu.vector_store %arg5[%swap3A, %swap3A_48], %add3A_47 {strides = array<i32>} : memref<17x512xf32, #tpu.memory_space<vmem>>, vector<17x512xf32>,
    } else {
    }
    return
  }
  func.func @transform_0(%arg0: i32) -> (i32, i32) {
    %c0_i32 = arith.constant 0 : i32
    %c0_i32_0 = arith.constant 0 : i32
    %c0_i32_1 = arith.constant 0 : i32
    return %c0_i32, %c0_i32_0 : i32, i32
  }
  func.func @transform_1(%arg0: i32) -> (i32, i32) {
    %c0_i32 = arith.constant 0 : i32
    %c0_i32_0 = arith.constant 0 : i32
    %c0_i32_1 = arith.constant 0 : i32
    return %c0_i32, %c0_i32_0 : i32, i32
  }
  func.func @transform_2(%arg0: i32) -> (i32, i32, i32) {
    %c0_i32 = arith.constant 0 : i32
    %c0_i32_0 = arith.constant 0 : i32
    %c0_i32_1 = arith.constant 0 : i32
    return %arg0, %c0_i32, %c0_i32_0 : i32, i32, i32
  }
  func.func @transform_3(%arg0: i32) -> (i32, i32, i32) {
    %c0_i32 = arith.constant 0 : i32
    %c0_i32_0 = arith.constant 0 : i32
    %c0_i32_1 = arith.constant 0 : i32
    return %arg0, %c0_i32, %c0_i32_0 : i32, i32, i32
  }
  func.func @transform_4(%arg0: i32) -> (i32, i32) {
    %c0_i32 = arith.constant 0 : i32
    %c0_i32_0 = arith.constant 0 : i32
    %c0_i32_1 = arith.constant 0 : i32
    return %c0_i32, %c0_i32_0 : i32, i32
  }
}

</mosaic_0001>

<sc_bundles>
// kernel: kernel.4.cloned.1.call-start
scs
__scs_entry_jumppad:
0x0: {  	(pc) =	sbr.rel $0x88, $3  }
0x1: {  	(tag) =	ssettag $0x0;
	lr =	simm.s32 $0x1  }
0x2: {  	[smem:$0x3F9C] =	sst lr;
	_ =	strace $0xD0000000  }
0x3: {  	_ = 	snop  }
0x4: {  	_ = 	snop  }
0x5: {  	_ = 	snop  }
0x6: {  	_ = 	snop  }
0x7: {  	_ = 	snop  }
__scs_overlays_trampoline_lowered:
0x8: {  	[smem:$0x3FAB] =	sst s0  }
0x9: {  	[smem:$0x3FAC] =	sst s1  }
0xa: {  	[smem:$0x3FAD] =	sst s2  }
0xb: {  	[smem:$0x3FAE] =	sst s3  }
0xc: {  	[smem:$0x3FAF] =	sst s4  }
0xd: {  	[smem:$0x3FB0] =	sst s5  }
0xe: {  	[smem:$0x3FB1] =	sst s6  }
0xf: {  	[smem:$0x3FB2] =	sst s7  }
0x10: {  	[smem:$0x3FB3] =	sst s8  }
0x11: {  	[smem:$0x3FB4] =	sst s9;
	s0 =	simm.s32 @!p0 $0x0  }
0x12: {  	s1 =	sld [smem:$0x3F9A];
	s0 =	simm.s32 @p0 $0x1  }
0x13: {  	[smem:$0x3FB5] =	sst s0;
	s0 =	simm.s32 @!p1 $0x0  }
0x14: {  	s2 =	sld [smem:$0x3F99];
	s0 =	simm.s32 @p1 $0x1  }
0x15: {  	[smem:$0x3FB6] =	sst s0;
	s0 =	simm.s32 @!p2 $0x0  }
0x16: {  	s3 =	sld [smem:$0x3FDB];
	s0 =	simm.s32 @p2 $0x1  }
0x17: {  	s4 =	simm.s32 $0x1BF5;
	[smem:$0x3FB8] =	sst s0  }
0x18: {  	s0 =	sld [smem:$0x3F9B];
	_ =	swait.ge [sflag:s4], $0x0  }
0x19: {  	s7 =	sld [smem:$0x3F9C]  }
0x1a: {  	s8 =	sadd.s32 $0xFFFFE003, lr  }
0x1b: {  	s9 =	sadd.s32 $0xFFFFFEF7, lr;
	s5 =	simm.s32 $0xFFFFFFFF;
	p2 =	slt.u32 s8, $0xFFFFF086  }
0x1c: {  	p1 =	slt.u32 s9, $0xF7A;
	s5 =	simm.s32 @!p2 $0x0  }
0x1d: {  	s5 =	simm.s32 @p1 $0x1;
	p0 =	seq.s32 s7, s2  }
0x1e: {  	s7 =	smul.u32 @!p0 $0xF7A, s2;
	p2 =	seq.s32 @!p0 s5, $0x0  }
0x1f: {  	s9 =	smul.u32 $0xF7A, s1;
	s8 =	simm.s32 @!p0 $0x1BF5;
	p2 =	por !p2, p0  }
0x20: {  	[sflag:s8] =	ssyncset.s32 @!p0 $0xFFFFF086;
	s6 =	sadd.s32 @!p0 s3, s7;
	s7 =	simm.s32 @!p0 $0x108  }
0x21: {  	s3 =	sadd.s32 s3, s9;
	s6 =	sadd.s32 @!p0 $0x88, s6;
	s7 =	simm.s32 @p2 $0x1082  }
0x22: {  	[simem:s7], [sflag:s8] =	dma.local @!p0 [hbm:s6], $0xF7A  }
0x23: {  	s9 =	sor.u32 $0xD0000000, s2;
	s6 =	simm.s32 $0x108;
	_ =	swait.ge @!p0 [sflag:s8], $0x0  }
0x24: {  	s3 =	sadd.s32 $0x88, s3;
	s6 =	simm.s32 @!p1 $0x1082;
	[sflag:s4] =	ssyncset.s32 $0xFFFFF086  }
0x25: {  	[simem:s6], [sflag:s4] =	dma.local [hbm:s3], $0xF7A  }
0x26: {  	[smem:$0x3F9C] =	sst s1;
	(tag) =	ssettag s2;
	_ =	strace s9  }
0x27: {  	s1 =	sld [smem:$0x3FAC]  }
0x28: {  	s2 =	sld [smem:$0x3FAD]  }
0x29: {  	s4 =	sld [smem:$0x3FAF]  }
0x2a: {  	p0 =	seq.s32 s5, $0x0;
	s5 =	sld [smem:$0x3FB0]  }
0x2b: {  	s6 =	sld [smem:$0x3FB1]  }
0x2c: {  	s7 =	sld [smem:$0x3FB2]  }
0x2d: {  	s3 =	simm.s32 $0x108;
	s8 =	sld [smem:$0x3FB3]  }
0x2e: {  	s3 =	simm.s32 @!p0 $0x1082;
	s9 =	sld [smem:$0x3FB4]  }
0x2f: {  	lr =	sadd.s32 s0, s3;
	s0 =	sld [smem:$0x3FAB]  }
0x30: {  	s3 =	sld [smem:$0x3FAE]  }
0x31: {  	[smem:$0x3FB7] =	sst s10  }
0x32: {  	s10 =	sld [smem:$0x3FB5];
	_ =	sdelay $0x3  }
0x33: {  	p0 =	seq.s32 s10, $0x1;
	s10 =	sld [smem:$0x3FB7];
	_ =	sdelay $0x3  }
0x34: {  	[smem:$0x3FB7] =	sst s10  }
0x35: {  	s10 =	sld [smem:$0x3FB6];
	_ =	sdelay $0x3  }
0x36: {  	p1 =	seq.s32 s10, $0x1;
	s10 =	sld [smem:$0x3FB7];
	_ =	sdelay $0x3  }
0x37: {  	[smem:$0x3FB7] =	sst s10  }
0x38: {  	s10 =	sld [smem:$0x3FB8]  }
0x39: {  	_ = 	snop;
	(pc) =	sbr.ind lr, $3  }
0x3a: {  	_ = 	snop  }
0x3b: {  	_ = 	snop  }
0x3c: {  	p2 =	seq.s32 s10, $0x1;
	s10 =	sld [smem:$0x3FB7]  }
0x3d: {  	_ =	shalt  }
0x3e: {  	_ =	shalt  }
0x3f: {  	_ =	shalt  }
0x40: {  	_ =	shalt  }
0x41: {  	_ =	shalt  }
0x42: {  	_ =	shalt  }
0x43: {  	_ =	shalt  }
0x44: {  	_ =	shalt  }
0x45: {  	_ =	shalt  }
0x46: {  	_ =	shalt  }
0x47: {  	_ =	shalt  }
0x48: {  	_ =	shalt  }
0x49: {  	_ =	shalt  }
0x4a: {  	_ =	shalt  }
0x4b: {  	_ =	shalt  }
0x4c: {  	_ =	shalt  }
0x4d: {  	_ =	shalt  }
0x4e: {  	_ =	shalt  }
0x4f: {  	_ =	shalt  }
0x50: {  	_ =	shalt  }
0x51: {  	_ =	shalt  }
0x52: {  	_ =	shalt  }
0x53: {  	_ =	shalt  }
0x54: {  	_ =	shalt  }
0x55: {  	_ =	shalt  }
0x56: {  	_ =	shalt  }
0x57: {  	_ =	shalt  }
0x58: {  	_ =	shalt  }
0x59: {  	_ =	shalt  }
0x5a: {  	_ =	shalt  }
0x5b: {  	_ =	shalt  }
0x5c: {  	_ =	shalt  }
0x5d: {  	_ =	shalt  }
0x5e: {  	_ =	shalt  }
0x5f: {  	_ =	shalt  }
0x60: {  	_ =	shalt  }
0x61: {  	_ =	shalt  }
0x62: {  	_ =	shalt  }
0x63: {  	_ =	shalt  }
0x64: {  	_ =	shalt  }
0x65: {  	_ =	shalt  }
0x66: {  	_ =	shalt  }
0x67: {  	_ =	shalt  }
0x68: {  	_ =	shalt  }
0x69: {  	_ =	shalt  }
0x6a: {  	_ =	shalt  }
0x6b: {  	_ =	shalt  }
0x6c: {  	_ =	shalt  }
0x6d: {  	_ =	shalt  }
0x6e: {  	_ =	shalt  }
0x6f: {  	_ =	shalt  }
0x70: {  	_ =	shalt  }
0x71: {  	_ =	shalt  }
0x72: {  	_ =	shalt  }
0x73: {  	_ =	shalt  }
0x74: {  	_ =	shalt  }
0x75: {  	_ =	shalt  }
0x76: {  	_ =	shalt  }
0x77: {  	_ =	shalt  }
0x78: {  	_ =	shalt  }
0x79: {  	_ =	shalt  }
0x7a: {  	_ =	shalt  }
0x7b: {  	_ =	shalt  }
0x7c: {  	_ =	shalt  }
0x7d: {  	_ =	shalt  }
0x7e: {  	_ =	shalt  }
0x7f: {  	_ =	shalt  }
0x80: {  	_ =	shalt  }
0x81: {  	_ =	shalt  }
0x82: {  	_ =	shalt  }
0x83: {  	_ =	shalt  }
0x84: {  	_ =	shalt  }
0x85: {  	_ =	shalt  }
0x86: {  	_ =	shalt  }
0x87: {  	_ =	shalt  }
.Lfunc_end0:
.L_simem_size_0:
called_computation_lowered:
.L_overlay_start_0:
0x88: {  	s2 =	sld [smem:$0x3FD9]  }
0x89: {  	s3 =	sld [smem:$0x3FFE];
	_ =	sdelay $0x1  }
0x8a: {  	s1 =	srdreg.scid  }
0x8b: {  	s0 =	sand.u32 $0x1, s1  }
0x8c: {  	s15 =	sshll.u32 s0, $0xA;
	s2 =	sadd.s32 s3, s2  }
0x8d: {  	s2 =	sadd.s32 s2, s15  }
0x8e: {  	[smem:$0x3FC3] =	sst s2  }
0x8f: {  	_ = 	snop  }
0x90: {  	s2 =	sld [smem:$0x3FD0];
	_ =	sdelay $0x1  }
0x91: {  	s16 =	sld [smem:$0x3FC8]  }
0x92: {  	s5 =	simm.s32 $0xA;
	s6 =	simm.s32 $0x10;
	s4 =	sld [smem:$0x3FC6]  }
0x93: {  	[smem:s6], [sflag:s5] =	dma.local [hbm:s2], $0x1  }
0x94: {  	_ =	swait.eq [sflag:s5], $0x1  }
0x95: {  	[sflag:s5] =	ssyncset.done $0x0  }
0x96: {  	[sflag:s5] =	ssyncadd.s32 $0xFFFFFFFF  }
0x97: {  	s17 =	sld [smem:$0x10];
	(tm) =	ssettm $0x1  }
0x98: {  	s18 =	sld [smem:$0x3FFB];
	_ =	sdelay $0x3  }
0x99: {  	_ =	strace s18  }
0x9a: {  	s5 =	sld [smem:$0x3FFC];
	_ =	sdelay $0x3  }
0x9b: {  	_ =	strace s5  }
0x9c: {  	s5 =	sld [smem:$0x3FFD];
	_ =	sdelay $0x3  }
0x9d: {  	_ =	strace s5  }
0x9e: {  	_ =	strace $0x8FFFFFFF  }
0x9f: {  	s19 =	sld [smem:$0x3FDB];
	_ =	sdelay $0x1  }
0xa0: {  	s20 =	simm.s32 $_scs_section_size  }
0xa1: {  	s7 =	simm.s32 $_size__tile_overlayer_lowered;
	s8 =	simm.s32 $_tile_overlayer_lowered  }
0xa2: {  	s23 =	simm.s32 $0x1BFF;
	s22 =	sshll.u32 s8, $0x1;
	s5 =	sadd.s32 s20, s19  }
0xa3: {  	s9 =	simm.s32 $0x0;
	s21 =	sshll.u32 s7, $0x1;
	s7 =	sadd.s32 s22, s5  }
0xa4: {  	[timem:s9], [sflag:s23] =	dma.local [hbm:s7], s21  }
0xa5: {  	_ =	swait.ge [sflag:s23], s21  }
0xa6: {  	s6 =	ssub.s32 $0x0, s21;
	[sflag:s23] =	ssyncset.done $0x0  }
0xa7: {  	[sflag:s23] =	ssyncadd.s32 s6;
	_ =	sdelay $0x1  }
0xa8: {  	s24 =	simm.s32 $0x1B8B  }
0xa9: {  	_ =	swait.ge [sflag:s24], $0x1  }
0xaa: {  	[sflag:s24] =	ssyncset.done $0x0  }
0xab: {  	s25 =	simm.s32 $0x1B8E;
	[sflag:s24] =	ssyncadd.s32 $0xFFFFFFFF  }
0xac: {  	s26 =	simm.s32 $execute0_lowered;
	[smem:$0x3FD2] =	sst s25  }
0xad: {  	s6 =	sshll.u32 s26, $0x1;
	_ =	strace $0x80000046;
	[dreg:$0x1] =	wrdreg $0xFFFFFFFF  }
0xae: {  	s28 =	simm.s32 $_size_execute0_lowered;
	s5 =	sadd.s32 s5, s6;
	[dreg:$0x0] =	wrdreg $0x0  }
0xaf: {  	s6 =	sshll.u32 s28, $0x1;
	[dreg:$0x2] =	wrdreg s5  }
0xb0: {  	[dreg:$0x3] =	wrdreg s6  }
0xb1: {  	[dreg:$0x4] =	wrdreg $0xC0  }
0xb2: {  	_ =	task [dreg:s9], $0x5FFFF  }
0xb3: {  	[dreg:$0x1] =	wrdreg $0xFFFFFFFF  }
0xb4: {  	[dreg:$0x0] =	wrdreg $0x60  }
0xb5: {  	[dreg:$0x2] =	wrdreg s4  }
0xb6: {  	[dreg:$0x3] =	wrdreg s16  }
0xb7: {  	[dreg:$0x4] =	wrdreg s17  }
0xb8: {  	[dreg:$0x5] =	wrdreg $0x9  }
0xb9: {  	_ =	task.clear_ibuf [dreg:s9], $0x6FFFF;
	_ =	strace $0x90000046  }
0xba: {  	s29 =	simm.s32 $0x9;
	_ =	strace $0x80000048  }
0xbb: {  	_ =	swait.ge [sflag:s29], $0x1  }
0xbc: {  	[sflag:s29] =	ssyncadd.s32 $0xFFFFFFFF  }
0xbd: {  	_ =	strace $0x90000048  }
0xbe: {  	_ =	sfence  }
0xbf: {  	s30 =	sld [smem:$0x0];
	_ =	sdelay $0x2  }
0xc0: {  	s31 =	sshll.u32 s1, $0xD;
	s1 =	sshrl.u32 s1, $0x2  }
0xc1: {  	s3 =	sand.u32 $0x4000, s31;
	s1 =	sadd.s32 s1, s30  }
0xc2: {  	s0 =	sor.u32 s3, s0;
	s1 =	sshll.u32 s1, $0x11  }
0xc3: {  	s0 =	sor.u32 s1, s0  }
0xc4: {  	s0 =	sadd.s32 $0x8F2B, s0  }
0xc5: {  	[sflag:s0] =	ssyncadd.remote.s32 $0x1  }
0xc6: {  	_ =	sfence.sel $0xFFFF  }
0xc7: {  	[dreg:$0x0] =	wrdreg $0xFFFFFFFF;
	(pc) =	sbr.abs _section_cstart, $3  }
0xc8: {  	[dreg:$0x1] =	wrdreg $0xFFFFFFFF  }
0xc9: {  	_ =	task.clear_ibuf [dreg:s9], $0x2FFFF;
	_ =	strace $0x9FFFFFFF  }
0xca: {  	(tm) =	ssettm $0x7FFFFFFF  }
0xcb: {  	_ =	shalt  }
tec
execute0_lowered:
.L_overlay_start_1:
0x0: {  	(tag) =	ssettag $0x1  }
0x1: {  	s1 =	stileid.u32  }
0x2: {  	p0 =	sgt.u32 s1, $0x9  }
.Ltmp0:
0x3: {  	s4 =	rddreg [dreg:$0x0];
	(pc) =	sbr.rel @p0 .LBB2_5-.Ltmp0, $4  }
0x4: {  	s6 =	rddreg [dreg:$0x1]  }
0x5: {  	s5 =	rddreg [dreg:$0x2];
	s2 =	simm.s32 $0x0  }
0x6: {  	[smem:$0x7FF] =	sst s2  }
0x7: {  	s0 =	rddreg [dreg:$0x3];
	_ =	strace $0x80000047  }
0x8: {  	s3 =	srdreg.scid  }
0x9: {  	s29 =	sshll.u32 s1, $0x1;
	s7 =	sand.u32 $0x1, s3  }
0xa: {  	s3 =	sor.u32 s7, s29  }
0xb: {  	p1 =	seq.s32 s7, $0x1;
	p0 =	seq.s32 s3, $0x0  }
0xc: {  	p0 =	por !p0, !p1  }
0xd: {  	s8 =	simm.s32 $0x1;
	p0 =	por !p0, !p0  }
0xe: {  	s7 =	ssub.s32 $0x2, s7;
	s8 =	simm.s32 @!p0 $0x0  }
0xf: {  	s11 =	sshll.u32 s3, $0x8;
	s30 =	sshrl.u32 s7, $0x1;
	s8 =	ssub.s32 s1, s8  }
0x10: {  	s3 =	simm.s32 $0x1;
	s7 =	ssub.s32 s7, s30;
	s9 =	smul.u32 $0x3000, s8  }
0x11: {  	s7 =	smax.u32 s7, $0x1;
	s10 =	sshll.u32 s8, $0x9;
	s8 =	smul.u32 $0x6600, s8  }
0x12: {  	s10 =	ssub.s32 s11, s10;
	s11 =	simm.s32 $0x3100;
	s9 =	sshrl.u32 s9, $0x3  }
0x13: {  	s8 =	sadd.s32 s8, s10;
	s31 =	sshrl.u32 s10, $0x3;
	s10 =	simm.s32 $0x1000  }
0x14: {  	s4 =	sadd.s32 s4, s9;
	s8 =	sand.u32 $0x1FFFFF00, s8;
	s6 =	sadd.s32 s6, s31  }
0x15: {  	s9 =	simm.s32 $0x800;
	s5 =	sadd.s32 s5, s8;
	s8 =	simm.s32 $0x100  }
.LBB2_2:
0x16: {  	s12 =	simm.s32 $0x0  }
0x17: {  	[tilespmem:s12], [sflag:$0x1] =	stream.linear.gather [hbm4b:s6+s12], $0x100, $0x38;
	[tilespmem:$0x1C900] =	vst v63  }
0x18: {  	_ =	swait.ge [sflag:s3], $0x100  }
0x19: {  	[sflag:s3] =	ssyncset.done $0x0  }
0x1a: {  	[sflag:s3] =	ssyncadd.s32 $0xFFFFFF00  }
0x1b: {  	[tilespmem:s8], [sflag:$0x1] =	stream.linear.gather [hbm4b:s4+s12], $0x3000, $0x38;
	[tilespmem:$0x1C900] =	vst v63  }
0x1c: {  	_ =	swait.ge [sflag:s3], $0x3000  }
0x1d: {  	[sflag:s3] =	ssyncset.done $0x0  }
0x1e: {  	[sflag:s3] =	ssyncadd.s32 $0xFFFFD000  }
0x1f: {  	v0 =	vld [tilespmem:$0x0];
	_ =	sdelay $0x3  }
0x20: {  	v1 =	vld [tilespmem:$0x10]  }
0x21: {  	v2 =	vld [tilespmem:$0x20];
	v3 =	vshll.u32 v0, $0x9;
	v0 =	vshll.u32 v0, $0x7  }
0x22: {  	v6 =	vmov s12;
	v4 =	vld [tilespmem:$0x30];
	v3 =	vand.u32 $0xFFFFF000, v3;
	v0 =	vand.u32 $0x380, v0  }
0x23: {  	v29 =	vand.u32 $0x7F, v6;
	v5 =	vld [tilespmem:$0x40];
	v8 =	vor.u32 v3, v0;
	v0 =	vshll.u32 v6, $0x3  }
0x24: {  	v16 =	vld [tilespmem:$0x50];
	v28 =	vand.u32 $0xC00, v0;
	v0 =	vor.u32 v8, v29  }
0x25: {  	v17 =	vld [tilespmem:$0x60];
	v0 =	vor.u32 v28, v0  }
0x26: {  	v18 =	vld [tilespmem:$0x70]  }
0x27: {  	v20 =	vld [tilespmem:$0x80];
	v3 =	vshll.u32 v1, $0x9;
	v1 =	vshll.u32 v1, $0x7  }
0x28: {  	v14 =	vld [tilespmem:$0x90];
	v3 =	vand.u32 $0xFFFFF000, v3;
	v1 =	vand.u32 $0x380, v1  }
0x29: {  	v7 =	vld [tilespmem:$0xA0];
	v10 =	vor.u32 v3, v1  }
0x2a: {  	v1 =	vor.u32 v10, v29;
	v0 =	vld.idx.msk [tilespmem:v0+s8+$0x0], $0xffff  }
0x2b: {  	v11 =	vld [tilespmem:$0xC0];
	v1 =	vor.u32 v28, v1  }
0x2c: {  	v9 =	vld [tilespmem:$0xD0]  }
0x2d: {  	s13 =	sand.u32 $0x1F800, s12;
	s12 =	sand.u32 $0x380, s12;
	v23 =	vld [tilespmem:$0xE0];
	v3 =	vshll.u32 v2, $0x9;
	v2 =	vshll.u32 v2, $0x7  }
0x2e: {  	s15 =	sor.u32 s12, s13;
	v27 =	vld [tilespmem:$0xF0];
	v3 =	vand.u32 $0xFFFFF000, v3;
	v2 =	vand.u32 $0x380, v2  }
0x2f: {  	s18 =	simm.s32 $0x1;
	v6 =	vld [tilespmem:$0xB0];
	v12 =	vor.u32 v3, v2;
	[tilespmem:s15+$0x3100] =	vst v0  }
0x30: {  	v2 =	vor.u32 v12, v29;
	v0 =	vmov s18;
	v1 =	vld.idx.msk [tilespmem:v1+s8+$0x0], $0xffff  }
0x31: {  	v15 =	vor.u32 v28, v2;
	v3 =	vand.u32 $0x7F, v0;
	v0 =	vshll.u32 v0, $0x3  }
0x32: {  	v2 =	vand.u32 $0xC00, v0;
	v0 =	vor.u32 v8, v3  }
0x33: {  	v13 =	vshll.u32 v4, $0x9;
	v4 =	vshll.u32 v4, $0x7;
	v0 =	vor.u32 v2, v0  }
0x34: {  	v13 =	vand.u32 $0xFFFFF000, v13;
	v4 =	vand.u32 $0x380, v4  }
0x35: {  	v13 =	vor.u32 v13, v4;
	[tilespmem:s15+$0x3110] =	vst v1  }
0x36: {  	v4 =	vor.u32 v13, v29;
	v1 =	vld.idx.msk [tilespmem:v15+s8+$0x0], $0xffff  }
0x37: {  	v4 =	vor.u32 v28, v4  }
0x38: {  	v15 =	vor.u32 v10, v3;
	v0 =	vld.idx.msk [tilespmem:v0+s8+$0x0], $0xffff  }
0x39: {  	v19 =	vshll.u32 v5, $0x9;
	v5 =	vshll.u32 v5, $0x7;
	v21 =	vor.u32 v2, v15  }
0x3a: {  	s19 =	simm.s32 $0x80;
	s20 =	simm.s32 $0x100;
	v5 =	vand.u32 $0x380, v5;
	v15 =	vand.u32 $0xFFFFF000, v19  }
0x3b: {  	s13 =	sand.u32 $0x1F800, s20;
	s12 =	sand.u32 $0x380, s19;
	v15 =	vor.u32 v15, v5;
	[tilespmem:s15+$0x3120] =	vst v1  }
0x3c: {  	s13 =	sor.u32 s12, s13;
	v5 =	vor.u32 v15, v29;
	v4 =	vld.idx.msk [tilespmem:v4+s8+$0x0], $0xffff  }
0x3d: {  	s21 =	simm.s32 $0x2;
	v22 =	vor.u32 v12, v3;
	v5 =	vor.u32 v28, v5;
	v1 =	vshll.u32 v16, $0x9;
	[tilespmem:s13+$0x3100] =	vst v0  }
0x3e: {  	v19 =	vand.u32 $0xFFFFF000, v1;
	v1 =	vshll.u32 v16, $0x7;
	v16 =	vmov s21;
	v21 =	vld.idx.msk [tilespmem:v21+s8+$0x0], $0xffff  }
0x3f: {  	v22 =	vor.u32 v2, v22;
	v0 =	vand.u32 $0x7F, v16;
	v16 =	vshll.u32 v16, $0x3  }
0x40: {  	v24 =	vand.u32 $0x380, v1;
	v1 =	vand.u32 $0xC00, v16;
	v16 =	vor.u32 v8, v0  }
0x41: {  	v19 =	vor.u32 v19, v24;
	v16 =	vor.u32 v1, v16;
	[tilespmem:s15+$0x3130] =	vst v4  }
0x42: {  	v4 =	vld.idx.msk [tilespmem:v5+s8+$0x0], $0xffff;
	v5 =	vor.u32 v19, v29  }
0x43: {  	v63 =	vshll.u32 v9, $0x9;
	[tilespmem:s13+$0x3110] =	vst v21;
	v5 =	vor.u32 v28, v5  }
0x44: {  	v9 =	vshll.u32 v9, $0x7;
	v38 =	vshll.u32 v23, $0x9;
	v21 =	vld.idx.msk [tilespmem:v22+s8+$0x0], $0xffff;
	v22 =	vor.u32 v13, v3  }
0x45: {  	v24 =	vshll.u32 v17, $0x9;
	v17 =	vshll.u32 v17, $0x7;
	v25 =	vor.u32 v2, v22  }
0x46: {  	v17 =	vand.u32 $0x380, v17;
	v22 =	vand.u32 $0xFFFFF000, v24;
	v16 =	vld.idx.msk [tilespmem:v16+s8+$0x0], $0xffff;
	v24 =	vor.u32 v10, v0  }
0x47: {  	v23 =	vshll.u32 v23, $0x7;
	v22 =	vor.u32 v22, v17;
	v17 =	vor.u32 v1, v24;
	[tilespmem:s15+$0x3140] =	vst v4  }
0x48: {  	s22 =	simm.s32 $0x100;
	s14 =	simm.s32 $0x200;
	v24 =	vor.u32 v22, v29;
	v4 =	vshll.u32 v18, $0x9;
	v18 =	vshll.u32 v18, $0x7;
	v5 =	vld.idx.msk [tilespmem:v5+s8+$0x0], $0xffff  }
0x49: {  	s14 =	sand.u32 $0x1F800, s14;
	s12 =	sand.u32 $0x380, s22;
	v24 =	vor.u32 v28, v24;
	v4 =	vand.u32 $0xFFFFF000, v4;
	v18 =	vand.u32 $0x380, v18;
	[tilespmem:s13+$0x3120] =	vst v21  }
0x4a: {  	s16 =	simm.s32 $0x3;
	s12 =	sor.u32 s12, s14;
	v9 =	vand.u32 $0x380, v9;
	v21 =	vor.u32 v4, v18;
	v18 =	vld.idx.msk [tilespmem:v25+s8+$0x0], $0xffff;
	v4 =	vor.u32 v15, v3  }
0x4b: {  	v30 =	vor.u32 v12, v0;
	[tilespmem:s12+$0x3100] =	vst v16;
	v16 =	vmov s16;
	v26 =	vor.u32 v2, v4  }
0x4c: {  	v30 =	vor.u32 v1, v30;
	v17 =	vld.idx.msk [tilespmem:v17+s8+$0x0], $0xffff;
	v4 =	vand.u32 $0x7F, v16;
	v16 =	vshll.u32 v16, $0x3  }
0x4d: {  	v25 =	vshll.u32 v20, $0x9;
	[tilespmem:s15+$0x3150] =	vst v5;
	v5 =	vand.u32 $0xC00, v16;
	v16 =	vor.u32 v8, v4  }
0x4e: {  	v20 =	vshll.u32 v20, $0x7;
	v31 =	vld.idx.msk [tilespmem:v24+s8+$0x0], $0xffff;
	v16 =	vor.u32 v5, v16;
	v24 =	vor.u32 v21, v29  }
0x4f: {  	v25 =	vand.u32 $0xFFFFF000, v25;
	v20 =	vand.u32 $0x380, v20;
	[tilespmem:s13+$0x3130] =	vst v18;
	v32 =	vor.u32 v28, v24  }
0x50: {  	v18 =	vshll.u32 v14, $0x9;
	v14 =	vshll.u32 v14, $0x7;
	v26 =	vld.idx.msk [tilespmem:v26+s8+$0x0], $0xffff;
	v24 =	vor.u32 v19, v3  }
0x51: {  	v18 =	vand.u32 $0xFFFFF000, v18;
	v14 =	vand.u32 $0x380, v14;
	[tilespmem:s12+$0x3110] =	vst v17;
	v17 =	vor.u32 v2, v24  }
0x52: {  	v24 =	vor.u32 v25, v20;
	v18 =	vor.u32 v18, v14;
	v14 =	vld.idx.msk [tilespmem:v30+s8+$0x0], $0xffff;
	v20 =	vor.u32 v13, v0  }
0x53: {  	v38 =	vand.u32 $0xFFFFF000, v38;
	v25 =	vor.u32 v10, v4;
	v20 =	vor.u32 v1, v20;
	v16 =	vld.idx.msk [tilespmem:v16+s8+$0x0], $0xffff;
	[tilespmem:s15+$0x3160] =	vst v31  }
0x54: {  	v56 =	vshll.u32 v6, $0x9;
	v25 =	vor.u32 v5, v25;
	v55 =	vor.u32 v24, v29;
	v31 =	vld.idx.msk [tilespmem:v32+s8+$0x0], $0xffff  }
0x55: {  	s23 =	simm.s32 $0x180;
	s24 =	simm.s32 $0x300;
	v57 =	vshll.u32 v6, $0x7;
	v6 =	vor.u32 v15, v0;
	[tilespmem:s13+$0x3140] =	vst v26;
	v26 =	vor.u32 v28, v55  }
0x56: {  	s14 =	sand.u32 $0x380, s23;
	v34 =	vor.u32 v22, v3;
	s16 =	sand.u32 $0x1F800, s24;
	v30 =	vshll.u32 v7, $0x9;
	v7 =	vshll.u32 v7, $0x7;
	v33 =	vld.idx.msk [tilespmem:v17+s8+$0x0], $0xffff  }
0x57: {  	s17 =	simm.s32 $0x4;
	s14 =	sor.u32 s14, s16;
	v30 =	vand.u32 $0xFFFFF000, v30;
	v7 =	vand.u32 $0x380, v7;
	[tilespmem:s12+$0x3120] =	vst v14;
	v14 =	vor.u32 v2, v34  }
0x58: {  	v61 =	vor.u32 v21, v3;
	v17 =	vor.u32 v30, v7;
	v7 =	vmov s17;
	v58 =	vld.idx.msk [tilespmem:v20+s8+$0x0], $0xffff;
	[tilespmem:s14+$0x3100] =	vst v16  }
0x59: {  	v20 =	vor.u32 v12, v4;
	v16 =	vld.idx.msk [tilespmem:v25+s8+$0x0], $0xffff;
	v25 =	vor.u32 v1, v6;
	[tilespmem:s15+$0x3170] =	vst v31;
	v6 =	vand.u32 $0x7F, v7  }
0x5a: {  	v7 =	vshll.u32 v7, $0x3;
	v31 =	vor.u32 v5, v20;
	v20 =	vor.u32 v18, v29;
	v26 =	vld.idx.msk [tilespmem:v26+s8+$0x0], $0xffff  }
0x5b: {  	[tilespmem:s13+$0x3150] =	vst v33;
	v7 =	vand.u32 $0xC00, v7;
	v59 =	vor.u32 v8, v6;
	v35 =	vor.u32 v28, v20  }
0x5c: {  	v30 =	vand.u32 $0xFFFFF000, v56;
	v20 =	vand.u32 $0x380, v57;
	v14 =	vld.idx.msk [tilespmem:v14+s8+$0x0], $0xffff;
	v60 =	vor.u32 v7, v59  }
0x5d: {  	v33 =	vor.u32 v2, v61;
	v20 =	vor.u32 v30, v20;
	v30 =	vshll.u32 v11, $0x9;
	[tilespmem:s12+$0x3130] =	vst v58  }
0x5e: {  	v11 =	vshll.u32 v11, $0x7;
	v30 =	vand.u32 $0xFFFFF000, v30;
	v25 =	vld.idx.msk [tilespmem:v25+s8+$0x0], $0xffff;
	[tilespmem:s14+$0x3110] =	vst v16;
	v16 =	vor.u32 v19, v0  }
0x5f: {  	v11 =	vand.u32 $0x380, v11;
	v31 =	vld.idx.msk [tilespmem:v31+s8+$0x0], $0xffff;
	v62 =	vor.u32 v1, v16;
	[tilespmem:s15+$0x3500] =	vst v26;
	v26 =	vor.u32 v13, v4  }
0x60: {  	v16 =	vor.u32 v30, v11;
	v30 =	vor.u32 v17, v29;
	v11 =	vld.idx.msk [tilespmem:v35+s8+$0x0], $0xffff;
	v26 =	vor.u32 v5, v26  }
0x61: {  	v23 =	vand.u32 $0x380, v23;
	v32 =	vld.idx.msk [tilespmem:v60+s8+$0x0], $0xffff;
	[tilespmem:s13+$0x3160] =	vst v14;
	v14 =	vor.u32 v10, v6;
	v30 =	vor.u32 v28, v30  }
0x62: {  	v23 =	vor.u32 v38, v23;
	v33 =	vld.idx.msk [tilespmem:v33+s8+$0x0], $0xffff;
	v36 =	vor.u32 v7, v14;
	v14 =	vor.u32 v24, v3  }
0x63: {  	s25 =	simm.s32 $0x200;
	s26 =	simm.s32 $0x400;
	v37 =	vor.u32 v18, v3;
	v35 =	vand.u32 $0xFFFFF000, v63;
	[tilespmem:s12+$0x3140] =	vst v25;
	v25 =	vor.u32 v2, v14  }
0x64: {  	s16 =	sand.u32 $0x380, s25;
	s17 =	sand.u32 $0x1F800, s26;
	v14 =	vor.u32 v35, v9;
	v9 =	vor.u32 v22, v0;
	v34 =	vld.idx.msk [tilespmem:v62+s8+$0x0], $0xffff;
	[tilespmem:s14+$0x3120] =	vst v31  }
0x65: {  	s16 =	sor.u32 s16, s17;
	v31 =	vor.u32 v1, v9;
	v9 =	vor.u32 v15, v4;
	v26 =	vld.idx.msk [tilespmem:v26+s8+$0x0], $0xffff;
	[tilespmem:s15+$0x3510] =	vst v11  }
0x66: {  	s18 =	simm.s32 $0x5;
	v41 =	vor.u32 v20, v29;
	[tilespmem:s16+$0x3100] =	vst v32;
	v40 =	vor.u32 v5, v9;
	v30 =	vld.idx.msk [tilespmem:v30+s8+$0x0], $0xffff  }
0x67: {  	v42 =	vor.u32 v12, v6;
	v35 =	vor.u32 v28, v41;
	v11 =	vmov s18;
	v36 =	vld.idx.msk [tilespmem:v36+s8+$0x0], $0xffff;
	[tilespmem:s13+$0x3170] =	vst v33  }
0x68: {  	v9 =	vand.u32 $0x7F, v11;
	v11 =	vshll.u32 v11, $0x3;
	v33 =	vor.u32 v7, v42;
	v25 =	vld.idx.msk [tilespmem:v25+s8+$0x0], $0xffff  }
0x69: {  	v37 =	vor.u32 v2, v37;
	v11 =	vand.u32 $0xC00, v11;
	v43 =	vor.u32 v8, v9;
	[tilespmem:s12+$0x3150] =	vst v34  }
0x6a: {  	v34 =	vor.u32 v11, v43;
	v31 =	vld.idx.msk [tilespmem:v31+s8+$0x0], $0xffff;
	[tilespmem:s14+$0x3130] =	vst v26;
	v26 =	vor.u32 v21, v0  }
0x6b: {  	v32 =	vld.idx.msk [tilespmem:v40+s8+$0x0], $0xffff;
	v26 =	vor.u32 v1, v26;
	[tilespmem:s15+$0x3520] =	vst v30;
	v30 =	vor.u32 v19, v4  }
0x6c: {  	v44 =	vor.u32 v16, v29;
	[tilespmem:s16+$0x3110] =	vst v36;
	v35 =	vld.idx.msk [tilespmem:v35+s8+$0x0], $0xffff;
	v30 =	vor.u32 v5, v30  }
0x6d: {  	v36 =	vor.u32 v28, v44;
	v33 =	vld.idx.msk [tilespmem:v33+s8+$0x0], $0xffff;
	[tilespmem:s13+$0x3500] =	vst v25;
	v25 =	vor.u32 v13, v6  }
0x6e: {  	v47 =	vor.u32 v22, v4;
	v45 =	vor.u32 v17, v3;
	v37 =	vld.idx.msk [tilespmem:v37+s8+$0x0], $0xffff;
	v25 =	vor.u32 v7, v25  }
0x6f: {  	v38 =	vor.u32 v2, v45;
	v34 =	vld.idx.msk [tilespmem:v34+s8+$0x0], $0xffff;
	[tilespmem:s12+$0x3160] =	vst v31;
	v31 =	vor.u32 v10, v9  }
0x70: {  	v46 =	vor.u32 v24, v0;
	v26 =	vld.idx.msk [tilespmem:v26+s8+$0x0], $0xffff;
	v31 =	vor.u32 v11, v31;
	[tilespmem:s14+$0x3140] =	vst v32  }
0x71: {  	s28 =	simm.s32 $0x280;
	s29 =	simm.s32 $0x500;
	v55 =	vor.u32 v21, v4;
	v32 =	vor.u32 v1, v46;
	v30 =	vld.idx.msk [tilespmem:v30+s8+$0x0], $0xffff;
	[tilespmem:s15+$0x3530] =	vst v35  }
0x72: {  	s17 =	sand.u32 $0x380, s28;
	v49 =	vor.u32 v14, v29;
	s18 =	sand.u32 $0x1F800, s29;
	[tilespmem:s16+$0x3120] =	vst v33;
	v35 =	vor.u32 v5, v47;
	v48 =	vld.idx.msk [tilespmem:v36+s8+$0x0], $0xffff  }
0x73: {  	s19 =	simm.s32 $0x6;
	s17 =	sor.u32 s17, s18;
	v36 =	vor.u32 v28, v49;
	v39 =	vld.idx.msk [tilespmem:v25+s8+$0x0], $0xffff;
	[tilespmem:s13+$0x3510] =	vst v37;
	v25 =	vor.u32 v15, v6  }
0x74: {  	v51 =	vmov s19;
	v40 =	vor.u32 v20, v3;
	[tilespmem:s17+$0x3100] =	vst v34;
	v50 =	vld.idx.msk [tilespmem:v38+s8+$0x0], $0xffff;
	v52 =	vor.u32 v7, v25  }
0x75: {  	v40 =	vor.u32 v2, v40;
	v37 =	vshll.u32 v51, $0x3;
	v31 =	vld.idx.msk [tilespmem:v31+s8+$0x0], $0xffff;
	[tilespmem:s12+$0x3170] =	vst v26;
	v26 =	vor.u32 v12, v9  }
0x76: {  	v25 =	vand.u32 $0x7F, v51;
	v32 =	vld.idx.msk [tilespmem:v32+s8+$0x0], $0xffff;
	v41 =	vor.u32 v11, v26;
	[tilespmem:s14+$0x3150] =	vst v30;
	v30 =	vor.u32 v18, v0  }
0x77: {  	v53 =	vor.u32 v8, v25;
	v26 =	vand.u32 $0xC00, v37;
	v35 =	vld.idx.msk [tilespmem:v35+s8+$0x0], $0xffff;
	v30 =	vor.u32 v1, v30;
	[tilespmem:s15+$0x3540] =	vst v48  }
0x78: {  	v56 =	vor.u32 v23, v29;
	v37 =	vor.u32 v26, v53;
	[tilespmem:s16+$0x3130] =	vst v39;
	v36 =	vld.idx.msk [tilespmem:v36+s8+$0x0], $0xffff  }
0x79: {  	v54 =	vshll.u32 v27, $0x9;
	v59 =	vor.u32 v17, v0;
	v39 =	vor.u32 v5, v55;
	v38 =	vld.idx.msk [tilespmem:v52+s8+$0x0], $0xffff;
	[tilespmem:s13+$0x3520] =	vst v50  }
0x7a: {  	v27 =	vshll.u32 v27, $0x7;
	v34 =	vor.u32 v28, v56;
	[tilespmem:s17+$0x3110] =	vst v31;
	v31 =	vor.u32 v19, v6;
	v40 =	vld.idx.msk [tilespmem:v40+s8+$0x0], $0xffff  }
0x7b: {  	v27 =	vand.u32 $0x380, v27;
	v57 =	vor.u32 v16, v3;
	v41 =	vld.idx.msk [tilespmem:v41+s8+$0x0], $0xffff;
	v31 =	vor.u32 v7, v31;
	[tilespmem:s12+$0x3500] =	vst v32  }
0x7c: {  	v58 =	vor.u32 v13, v9;
	v33 =	vand.u32 $0xFFFFF000, v54;
	v32 =	vor.u32 v2, v57;
	v30 =	vld.idx.msk [tilespmem:v30+s8+$0x0], $0xffff  }
0x7d: {  	v27 =	vor.u32 v33, v27;
	v33 =	vor.u32 v11, v58;
	v42 =	vld.idx.msk [tilespmem:v37+s8+$0x0], $0xffff;
	[tilespmem:s14+$0x3160] =	vst v35  }
0x7e: {  	v60 =	vor.u32 v10, v25;
	v35 =	vor.u32 v1, v59;
	v43 =	vld.idx.msk [tilespmem:v39+s8+$0x0], $0xffff;
	[tilespmem:s15+$0x3550] =	vst v36  }
0x7f: {  	v62 =	vor.u32 v24, v4;
	v61 =	vor.u32 v26, v60;
	[tilespmem:s16+$0x3140] =	vst v38;
	v44 =	vld.idx.msk [tilespmem:v34+s8+$0x0], $0xffff  }
0x80: {  	s20 =	simm.s32 $0x600;
	s19 =	simm.s32 $0x300;
	v63 =	vor.u32 v22, v6;
	v45 =	vor.u32 v5, v62;
	[tilespmem:s13+$0x3530] =	vst v40;
	v36 =	vld.idx.msk [tilespmem:v31+s8+$0x0], $0xffff  }
0x81: {  	s30 =	sand.u32 $0x1F800, s20;
	s21 =	sand.u32 $0x380, s19;
	v29 =	vor.u32 v27, v29;
	v37 =	vor.u32 v7, v63;
	[tilespmem:s17+$0x3120] =	vst v41;
	v34 =	vld.idx.msk [tilespmem:v32+s8+$0x0], $0xffff  }
0x82: {  	s18 =	sor.u32 s21, s30;
	v31 =	vor.u32 v28, v29;
	v28 =	vor.u32 v14, v3;
	v38 =	vld.idx.msk [tilespmem:v33+s8+$0x0], $0xffff;
	[tilespmem:s12+$0x3510] =	vst v30  }
0x83: {  	s31 =	simm.s32 $0x7;
	[tilespmem:s18+$0x3100] =	vst v42;
	v30 =	vor.u32 v15, v9;
	v32 =	vor.u32 v2, v28;
	v33 =	vld.idx.msk [tilespmem:v35+s8+$0x0], $0xffff  }
0x84: {  	v29 =	vmov s31;
	v40 =	vld.idx.msk [tilespmem:v61+s8+$0x0], $0xffff;
	v39 =	vor.u32 v11, v30;
	[tilespmem:s14+$0x3170] =	vst v43;
	v30 =	vor.u32 v20, v0  }
0x85: {  	s21 =	simm.s32 $0x8;
	v41 =	vor.u32 v12, v25;
	v28 =	vand.u32 $0x7F, v29;
	v35 =	vld.idx.msk [tilespmem:v45+s8+$0x0], $0xffff;
	v30 =	vor.u32 v1, v30;
	[tilespmem:s15+$0x3560] =	vst v44  }
.LBB2_3:
0x86: {  	v29 =	vshll.u32 v29, $0x3;
	v41 =	vor.u32 v26, v41;
	[tilespmem:s16+$0x3150] =	vst v36;
	v36 =	vor.u32 v18, v4  }
0x87: {  	p0 =	sne.s32 s21, $0x195;
	v31 =	vld.idx.msk [tilespmem:v31+s8+$0x0], $0xffff;
	v42 =	vmovc v11;
	v11 =	vmovc v26;
	v43 =	vmov v0;
	v0 =	vmov v4;
	v4 =	vmov v6  }
0x88: {  	v44 =	vor.u32 v8, v28;
	v26 =	vand.u32 $0xC00, v29;
	v29 =	vld.idx.msk [tilespmem:v37+s8+$0x0], $0xffff;
	v36 =	vor.u32 v5, v36;
	[tilespmem:s13+$0x3540] =	vst v34  }
0x89: {  	v6 =	vmov v9;
	v37 =	vor.u32 v21, v4;
	v34 =	vor.u32 v26, v44;
	[tilespmem:s17+$0x3130] =	vst v38;
	v32 =	vld.idx.msk [tilespmem:v32+s8+$0x0], $0xffff  }
0x8a: {  	v9 =	vmov v25;
	v37 =	vor.u32 v7, v37;
	v38 =	vld.idx.msk [tilespmem:v39+s8+$0x0], $0xffff;
	[tilespmem:s12+$0x3520] =	vst v33;
	v33 =	vor.u32 v23, v3  }
0x8b: {  	v25 =	vmov v28;
	v39 =	vor.u32 v19, v6;
	[tilespmem:s18+$0x3110] =	vst v40;
	v30 =	vld.idx.msk [tilespmem:v30+s8+$0x0], $0xffff;
	v33 =	vor.u32 v2, v33  }
0x8c: {  	v39 =	vor.u32 v42, v39;
	v28 =	vld.idx.msk [tilespmem:v41+s8+$0x0], $0xffff;
	[tilespmem:s14+$0x3500] =	vst v35;
	v35 =	vor.u32 v16, v43  }
0x8d: {  	v40 =	vor.u32 v13, v9;
	v41 =	vld.idx.msk [tilespmem:v36+s8+$0x0], $0xffff;
	v35 =	vor.u32 v1, v35;
	[tilespmem:s15+$0x3570] =	vst v31;
	s15 =	smov.u32 s13;
	s13 =	smov.u32 s12;
	s12 =	smov.u32 s14  }
0x8e: {  	v40 =	vor.u32 v11, v40;
	s14 =	smov.u32 s16;
	v44 =	vld.idx.msk [tilespmem:v34+s8+$0x0], $0xffff;
	[tilespmem:s16+$0x3160] =	vst v29;
	v29 =	vor.u32 v17, v0;
	s16 =	smov.u32 s17;
	s17 =	smov.u32 s18  }
0x8f: {  	v31 =	vor.u32 v10, v25;
	v45 =	vld.idx.msk [tilespmem:v37+s8+$0x0], $0xffff;
	v29 =	vor.u32 v5, v29;
	[tilespmem:s15+$0x3550] =	vst v32  }
0x90: {  	v46 =	vor.u32 v26, v31;
	v31 =	vor.u32 v24, v4;
	[tilespmem:s16+$0x3140] =	vst v38;
	v47 =	vld.idx.msk [tilespmem:v33+s8+$0x0], $0xffff  }
0x91: {  	s19 =	sadd.s32 $0x80, s19;
	s20 =	sadd.s32 $0x100, s20;
	v48 =	vor.u32 v7, v31;
	v36 =	vld.idx.msk [tilespmem:v39+s8+$0x0], $0xffff;
	[tilespmem:s13+$0x3530] =	vst v30;
	v30 =	vor.u32 v27, v3;
	v3 =	vmov v43  }
.Ltmp1:
0x92: {  	s22 =	sand.u32 $0x380, s19;
	s18 =	sand.u32 $0x1F800, s20;
	[tilespmem:s17+$0x3120] =	vst v28;
	v28 =	vor.u32 v22, v6;
	v34 =	vld.idx.msk [tilespmem:v35+s8+$0x0], $0xffff;
	v31 =	vor.u32 v2, v30;
	v2 =	vmov v1;
	(pc) =	sbr.rel @p0 .LBB2_3-.Ltmp1, $4  }
0x93: {  	s18 =	sor.u32 s22, s18;
	v1 =	vmov v5;
	v38 =	vld.idx.msk [tilespmem:v40+s8+$0x0], $0xffff;
	v37 =	vor.u32 v42, v28;
	[tilespmem:s12+$0x3510] =	vst v41;
	v28 =	vor.u32 v14, v3  }
0x94: {  	v30 =	vor.u32 v15, v9;
	v5 =	vmov v7;
	[tilespmem:s18+$0x3100] =	vst v44;
	v33 =	vld.idx.msk [tilespmem:v29+s8+$0x0], $0xffff;
	v32 =	vor.u32 v2, v28  }
0x95: {  	v7 =	vmovc v42;
	v39 =	vor.u32 v11, v30;
	v30 =	vor.u32 v20, v0;
	v29 =	vmov s21;
	v40 =	vld.idx.msk [tilespmem:v46+s8+$0x0], $0xffff;
	[tilespmem:s14+$0x3170] =	vst v45  }
0x96: {  	v41 =	vor.u32 v12, v25;
	s21 =	sadd.s32 $0x1, s21;
	v30 =	vor.u32 v1, v30;
	v28 =	vand.u32 $0x7F, v29;
	v35 =	vld.idx.msk [tilespmem:v48+s8+$0x0], $0xffff;
	[tilespmem:s15+$0x3560] =	vst v47  }
0x97: {  	v29 =	vshll.u32 v29, $0x3  }
0x98: {  	v8 =	vor.u32 v8, v28;
	v29 =	vand.u32 $0xC00, v29  }
0x99: {  	v8 =	vor.u32 v29, v8;
	_ =	sdelay $0x4  }
0x9a: {  	v10 =	vor.u32 v10, v28;
	v8 =	vld.idx.msk [tilespmem:v8+s8+$0x0], $0xffff  }
0x9b: {  	v10 =	vor.u32 v29, v10  }
0x9c: {  	s19 =	sadd.s32 $0x80, s19;
	s20 =	sadd.s32 $0x100, s20  }
0x9d: {  	s20 =	sand.u32 $0x1F800, s20;
	s19 =	sand.u32 $0x380, s19  }
0x9e: {  	s19 =	sor.u32 s19, s20  }
0x9f: {  	[tilespmem:s19+$0x3100] =	vst v8  }
0xa0: {  	v62 =	vor.u32 v26, v41;
	v12 =	vor.u32 v12, v28;
	v10 =	vld.idx.msk [tilespmem:v10+s8+$0x0], $0xffff  }
0xa1: {  	v12 =	vor.u32 v29, v12;
	_ =	sdelay $0x2  }
0xa2: {  	[tilespmem:s18+$0x3110] =	vst v40  }
0xa3: {  	v63 =	vor.u32 v13, v25;
	v8 =	vld.idx.msk [tilespmem:v62+s8+$0x0], $0xffff;
	[tilespmem:s19+$0x3110] =	vst v10  }
0xa4: {  	v45 =	vor.u32 v13, v28;
	v44 =	vor.u32 v26, v63;
	v12 =	vld.idx.msk [tilespmem:v12+s8+$0x0], $0xffff  }
0xa5: {  	v13 =	vor.u32 v29, v45;
	_ =	sdelay $0x2  }
0xa6: {  	[tilespmem:s18+$0x3120] =	vst v8  }
0xa7: {  	v46 =	vor.u32 v15, v25;
	v8 =	vld.idx.msk [tilespmem:v44+s8+$0x0], $0xffff;
	[tilespmem:s19+$0x3120] =	vst v12  }
0xa8: {  	v47 =	vor.u32 v15, v28;
	v10 =	vor.u32 v26, v46;
	v12 =	vld.idx.msk [tilespmem:v13+s8+$0x0], $0xffff  }
0xa9: {  	v13 =	vor.u32 v29, v47;
	_ =	sdelay $0x1  }
0xaa: {  	[tilespmem:s17+$0x3130] =	vst v38  }
0xab: {  	v49 =	vor.u32 v19, v9;
	v48 =	vld.idx.msk [tilespmem:v39+s8+$0x0], $0xffff;
	[tilespmem:s18+$0x3130] =	vst v8  }
0xac: {  	v51 =	vor.u32 v19, v25;
	v50 =	vor.u32 v11, v49;
	v10 =	vld.idx.msk [tilespmem:v10+s8+$0x0], $0xffff;
	[tilespmem:s19+$0x3130] =	vst v12  }
0xad: {  	v53 =	vor.u32 v19, v28;
	v52 =	vor.u32 v26, v51;
	v13 =	vld.idx.msk [tilespmem:v13+s8+$0x0], $0xffff  }
0xae: {  	v19 =	vor.u32 v29, v53;
	_ =	sdelay $0x1  }
0xaf: {  	[tilespmem:s17+$0x3140] =	vst v48  }
0xb0: {  	v54 =	vor.u32 v22, v9;
	v8 =	vld.idx.msk [tilespmem:v50+s8+$0x0], $0xffff;
	[tilespmem:s18+$0x3140] =	vst v10  }
0xb1: {  	v56 =	vor.u32 v22, v25;
	v55 =	vor.u32 v11, v54;
	v12 =	vld.idx.msk [tilespmem:v52+s8+$0x0], $0xffff;
	[tilespmem:s19+$0x3140] =	vst v13  }
0xb2: {  	v59 =	vor.u32 v22, v28;
	v57 =	vor.u32 v26, v56;
	v58 =	vld.idx.msk [tilespmem:v19+s8+$0x0], $0xffff  }
0xb3: {  	[tilespmem:s16+$0x3150] =	vst v36;
	v19 =	vor.u32 v29, v59  }
0xb4: {  	v61 =	vor.u32 v21, v6;
	v60 =	vld.idx.msk [tilespmem:v37+s8+$0x0], $0xffff  }
0xb5: {  	v62 =	vor.u32 v7, v61;
	[tilespmem:s17+$0x3150] =	vst v8  }
0xb6: {  	v63 =	vor.u32 v21, v9;
	v10 =	vld.idx.msk [tilespmem:v55+s8+$0x0], $0xffff;
	[tilespmem:s18+$0x3150] =	vst v12  }
0xb7: {  	v41 =	vor.u32 v21, v25;
	v40 =	vor.u32 v11, v63;
	v13 =	vld.idx.msk [tilespmem:v57+s8+$0x0], $0xffff;
	[tilespmem:s19+$0x3150] =	vst v58  }
0xb8: {  	v43 =	vor.u32 v21, v28;
	v42 =	vor.u32 v26, v41;
	v19 =	vld.idx.msk [tilespmem:v19+s8+$0x0], $0xffff  }
0xb9: {  	v21 =	vor.u32 v29, v43;
	[tilespmem:s16+$0x3160] =	vst v60  }
0xba: {  	[tilespmem:s13+$0x3540] =	vst v34;
	v44 =	vor.u32 v24, v6;
	v8 =	vld.idx.msk [tilespmem:v62+s8+$0x0], $0xffff  }
0xbb: {  	v45 =	vor.u32 v7, v44;
	[tilespmem:s17+$0x3160] =	vst v10  }
0xbc: {  	v46 =	vor.u32 v24, v9;
	v12 =	vld.idx.msk [tilespmem:v40+s8+$0x0], $0xffff;
	[tilespmem:s18+$0x3160] =	vst v13  }
0xbd: {  	v48 =	vor.u32 v24, v25;
	v47 =	vor.u32 v11, v46;
	v15 =	vld.idx.msk [tilespmem:v42+s8+$0x0], $0xffff;
	[tilespmem:s19+$0x3160] =	vst v19  }
0xbe: {  	[tilespmem:s12+$0x3520] =	vst v33;
	v49 =	vor.u32 v26, v48;
	v50 =	vor.u32 v24, v28;
	v21 =	vld.idx.msk [tilespmem:v21+s8+$0x0], $0xffff  }
0xbf: {  	v51 =	vld.idx.msk [tilespmem:v31+s8+$0x0], $0xffff;
	v22 =	vor.u32 v29, v50;
	[tilespmem:s16+$0x3170] =	vst v8  }
0xc0: {  	v54 =	vor.u32 v18, v6;
	[tilespmem:s14+$0x3500] =	vst v35;
	v10 =	vld.idx.msk [tilespmem:v45+s8+$0x0], $0xffff  }
0xc1: {  	v32 =	vld.idx.msk [tilespmem:v32+s8+$0x0], $0xffff;
	v55 =	vor.u32 v7, v54;
	v52 =	vor.u32 v18, v4;
	[tilespmem:s17+$0x3170] =	vst v12  }
0xc2: {  	v56 =	vor.u32 v18, v9;
	v53 =	vor.u32 v5, v52;
	v13 =	vld.idx.msk [tilespmem:v47+s8+$0x0], $0xffff;
	[tilespmem:s18+$0x3170] =	vst v15  }
0xc3: {  	v57 =	vor.u32 v11, v56;
	v58 =	vor.u32 v18, v25;
	v19 =	vld.idx.msk [tilespmem:v49+s8+$0x0], $0xffff;
	[tilespmem:s19+$0x3170] =	vst v21  }
0xc4: {  	[tilespmem:s15+$0x3570] =	vst v51;
	v60 =	vor.u32 v18, v28;
	v59 =	vor.u32 v26, v58;
	v22 =	vld.idx.msk [tilespmem:v22+s8+$0x0], $0xffff  }
0xc5: {  	v30 =	vld.idx.msk [tilespmem:v30+s8+$0x0], $0xffff;
	v61 =	vor.u32 v23, v3;
	[tilespmem:s16+$0x3500] =	vst v10;
	v18 =	vor.u32 v29, v60  }
0xc6: {  	v33 =	vor.u32 v17, v6;
	[tilespmem:s13+$0x3550] =	vst v32;
	v24 =	vor.u32 v2, v61;
	v12 =	vld.idx.msk [tilespmem:v55+s8+$0x0], $0xffff  }
0xc7: {  	v34 =	vor.u32 v7, v33;
	v62 =	vor.u32 v17, v4;
	v8 =	vld.idx.msk [tilespmem:v53+s8+$0x0], $0xffff;
	[tilespmem:s17+$0x3500] =	vst v13  }
0xc8: {  	v35 =	vor.u32 v17, v9;
	v63 =	vor.u32 v5, v62;
	v15 =	vld.idx.msk [tilespmem:v57+s8+$0x0], $0xffff;
	[tilespmem:s18+$0x3500] =	vst v19  }
0xc9: {  	v37 =	vor.u32 v17, v25;
	v36 =	vor.u32 v11, v35;
	v21 =	vld.idx.msk [tilespmem:v59+s8+$0x0], $0xffff;
	[tilespmem:s19+$0x3500] =	vst v22  }
0xca: {  	v38 =	vor.u32 v26, v37;
	v39 =	vor.u32 v17, v28;
	[tilespmem:s12+$0x3530] =	vst v30;
	v18 =	vld.idx.msk [tilespmem:v18+s8+$0x0], $0xffff  }
0xcb: {  	v41 =	vor.u32 v29, v39;
	v24 =	vld.idx.msk [tilespmem:v24+s8+$0x0], $0xffff;
	v40 =	vor.u32 v16, v0;
	[tilespmem:s16+$0x3510] =	vst v12  }
0xcc: {  	v45 =	vor.u32 v20, v6;
	[tilespmem:s14+$0x3510] =	vst v8;
	v42 =	vor.u32 v1, v40;
	v13 =	vld.idx.msk [tilespmem:v34+s8+$0x0], $0xffff  }
0xcd: {  	v43 =	vor.u32 v20, v4;
	v46 =	vor.u32 v7, v45;
	v10 =	vld.idx.msk [tilespmem:v63+s8+$0x0], $0xffff;
	[tilespmem:s17+$0x3510] =	vst v15  }
0xce: {  	v44 =	vor.u32 v5, v43;
	v47 =	vor.u32 v20, v9;
	v19 =	vld.idx.msk [tilespmem:v36+s8+$0x0], $0xffff;
	[tilespmem:s18+$0x3510] =	vst v21  }
0xcf: {  	v48 =	vor.u32 v11, v47;
	v49 =	vor.u32 v20, v25;
	v22 =	vld.idx.msk [tilespmem:v38+s8+$0x0], $0xffff;
	[tilespmem:s19+$0x3510] =	vst v18  }
0xd0: {  	v51 =	vor.u32 v20, v28;
	[tilespmem:s13+$0x3560] =	vst v24;
	v50 =	vor.u32 v26, v49;
	v8 =	vld.idx.msk [tilespmem:v41+s8+$0x0], $0xffff  }
0xd1: {  	v52 =	vor.u32 v27, v3;
	v53 =	vor.u32 v29, v51;
	v17 =	vld.idx.msk [tilespmem:v42+s8+$0x0], $0xffff;
	[tilespmem:s16+$0x3520] =	vst v13  }
0xd2: {  	v54 =	vor.u32 v2, v52;
	[tilespmem:s14+$0x3520] =	vst v10;
	v57 =	vor.u32 v16, v6;
	v13 =	vld.idx.msk [tilespmem:v46+s8+$0x0], $0xffff  }
0xd3: {  	v56 =	vor.u32 v16, v4;
	v55 =	vld.idx.msk [tilespmem:v44+s8+$0x0], $0xffff;
	v15 =	vor.u32 v7, v57;
	[tilespmem:s17+$0x3520] =	vst v19  }
0xd4: {  	v58 =	vor.u32 v16, v9;
	v12 =	vor.u32 v5, v56;
	v19 =	vld.idx.msk [tilespmem:v48+s8+$0x0], $0xffff;
	[tilespmem:s18+$0x3520] =	vst v22  }
0xd5: {  	v20 =	vor.u32 v11, v58;
	v59 =	vor.u32 v16, v25;
	v18 =	vld.idx.msk [tilespmem:v50+s8+$0x0], $0xffff;
	[tilespmem:s19+$0x3520] =	vst v8  }
0xd6: {  	v61 =	vor.u32 v16, v28;
	[tilespmem:s12+$0x3540] =	vst v17;
	v60 =	vor.u32 v26, v59;
	v10 =	vld.idx.msk [tilespmem:v53+s8+$0x0], $0xffff  }
0xd7: {  	v62 =	vor.u32 v14, v0;
	v2 =	vld.idx.msk [tilespmem:v54+s8+$0x0], $0xffff;
	v63 =	vor.u32 v29, v61;
	[tilespmem:s16+$0x3530] =	vst v13  }
0xd8: {  	v32 =	vor.u32 v14, v6;
	v24 =	vor.u32 v1, v62;
	[tilespmem:s14+$0x3530] =	vst v55;
	v15 =	vld.idx.msk [tilespmem:v15+s8+$0x0], $0xffff  }
0xd9: {  	v30 =	vor.u32 v14, v4;
	v17 =	vor.u32 v7, v32;
	v12 =	vld.idx.msk [tilespmem:v12+s8+$0x0], $0xffff;
	[tilespmem:s17+$0x3530] =	vst v19  }
0xda: {  	v33 =	vor.u32 v14, v9;
	v31 =	vor.u32 v5, v30;
	v19 =	vld.idx.msk [tilespmem:v20+s8+$0x0], $0xffff;
	[tilespmem:s18+$0x3530] =	vst v18  }
0xdb: {  	v35 =	vor.u32 v14, v25;
	v34 =	vor.u32 v11, v33;
	v8 =	vld.idx.msk [tilespmem:v60+s8+$0x0], $0xffff;
	[tilespmem:s19+$0x3530] =	vst v10  }
0xdc: {  	v37 =	vor.u32 v14, v28;
	[tilespmem:s13+$0x3570] =	vst v2;
	v36 =	vor.u32 v26, v35;
	v3 =	vld.idx.msk [tilespmem:v63+s8+$0x0], $0xffff  }
0xdd: {  	v39 =	vor.u32 v23, v0;
	v38 =	vld.idx.msk [tilespmem:v24+s8+$0x0], $0xffff;
	[tilespmem:s16+$0x3540] =	vst v15;
	v10 =	vor.u32 v29, v37  }
0xde: {  	v40 =	vor.u32 v1, v39;
	v44 =	vor.u32 v23, v6;
	[tilespmem:s14+$0x3540] =	vst v12;
	v43 =	vld.idx.msk [tilespmem:v17+s8+$0x0], $0xffff  }
0xdf: {  	v13 =	vld.idx.msk [tilespmem:v31+s8+$0x0], $0xffff;
	v17 =	vor.u32 v7, v44;
	v41 =	vor.u32 v23, v4;
	[tilespmem:s17+$0x3540] =	vst v19  }
0xe0: {  	v45 =	vor.u32 v23, v9;
	v42 =	vor.u32 v5, v41;
	v18 =	vld.idx.msk [tilespmem:v34+s8+$0x0], $0xffff;
	[tilespmem:s18+$0x3540] =	vst v8  }
0xe1: {  	v47 =	vor.u32 v23, v25;
	v46 =	vor.u32 v11, v45;
	v2 =	vld.idx.msk [tilespmem:v36+s8+$0x0], $0xffff;
	[tilespmem:s19+$0x3540] =	vst v3  }
0xe2: {  	v49 =	vor.u32 v23, v28;
	v48 =	vor.u32 v26, v47;
	[tilespmem:s12+$0x3550] =	vst v38;
	v10 =	vld.idx.msk [tilespmem:v10+s8+$0x0], $0xffff  }
0xe3: {  	v51 =	vor.u32 v29, v49;
	v12 =	vld.idx.msk [tilespmem:v40+s8+$0x0], $0xffff;
	v50 =	vor.u32 v27, v0;
	[tilespmem:s16+$0x3550] =	vst v43  }
0xe4: {  	v55 =	vor.u32 v27, v6;
	[tilespmem:s14+$0x3550] =	vst v13;
	v0 =	vor.u32 v1, v50;
	v54 =	vld.idx.msk [tilespmem:v17+s8+$0x0], $0xffff  }
0xe5: {  	v6 =	vor.u32 v7, v55;
	v52 =	vld.idx.msk [tilespmem:v42+s8+$0x0], $0xffff;
	v53 =	vor.u32 v27, v4;
	[tilespmem:s17+$0x3550] =	vst v18  }
0xe6: {  	v57 =	vor.u32 v27, v9;
	v4 =	vor.u32 v5, v53;
	v56 =	vld.idx.msk [tilespmem:v46+s8+$0x0], $0xffff;
	[tilespmem:s18+$0x3550] =	vst v2  }
0xe7: {  	v58 =	vor.u32 v11, v57;
	v59 =	vor.u32 v27, v25;
	v3 =	vld.idx.msk [tilespmem:v48+s8+$0x0], $0xffff;
	[tilespmem:s19+$0x3550] =	vst v10  }
0xe8: {  	v61 =	vor.u32 v27, v28;
	[tilespmem:s12+$0x3560] =	vst v12;
	v8 =	vor.u32 v26, v59;
	v60 =	vld.idx.msk [tilespmem:v51+s8+$0x0], $0xffff  }
0xe9: {  	v62 =	vor.u32 v29, v61;
	v0 =	vld.idx.msk [tilespmem:v0+s8+$0x0], $0xffff;
	[tilespmem:s16+$0x3560] =	vst v54  }
0xea: {  	v5 =	vld.idx.msk [tilespmem:v6+s8+$0x0], $0xffff;
	[tilespmem:s14+$0x3560] =	vst v52  }
0xeb: {  	v4 =	vld.idx.msk [tilespmem:v4+s8+$0x0], $0xffff;
	[tilespmem:s17+$0x3560] =	vst v56  }
0xec: {  	v2 =	vld.idx.msk [tilespmem:v58+s8+$0x0], $0xffff;
	[tilespmem:s18+$0x3560] =	vst v3  }
0xed: {  	v3 =	vld.idx.msk [tilespmem:v8+s8+$0x0], $0xffff;
	[tilespmem:s19+$0x3560] =	vst v60  }
0xee: {  	[tilespmem:s12+$0x3570] =	vst v0;
	v63 =	vld.idx.msk [tilespmem:v62+s8+$0x0], $0xffff  }
0xef: {  	[tilespmem:s16+$0x3570] =	vst v5  }
0xf0: {  	[tilespmem:s14+$0x3570] =	vst v4  }
0xf1: {  	s2 =	sadd.s32 $0x1, s2;
	[tilespmem:s17+$0x3570] =	vst v2  }
0xf2: {  	p0 =	sne.s32 s2, s7;
	[tilespmem:s18+$0x3570] =	vst v3  }
.Ltmp2:
0xf3: {  	[tilespmem:s19+$0x3570] =	vst v63;
	(pc) =	sbr.rel @p0 .LBB2_2-.Ltmp2, $4  }
0xf4: {  	[hbm4b:s5+s9] =	stream.strided.scatter [tilespmem:s11], [sflag:$0x1], $0x19800, s10, s9, $0x38;
	[tilespmem:$0x1C900] =	vst v63  }
0xf5: {  	_ =	swait.ge [sflag:s3], $0x19800  }
0xf6: {  	[sflag:s3] =	ssyncset.done $0x0  }
0xf7: {  	[sflag:s3] =	ssyncadd.s32 $0xFFFE6800  }
.LBB2_5:
0xf8: {  	_ =	sfence.sel $0x180000  }
0xf9: {  	[bflag:$0x0] =	sbarrier.arrive $0xFFFF  }
0xfa: {  	p0 =	sne.s32 s1, $0x0;
	_ =	strace $0x90000047  }
0xfb: {  	s0 =	sadd.s32 @!p0 $0x100000, s0;
	[bflag:$0x2] =	sbarrier.arrive $0xFFFF  }
0xfc: {  	[sflag:s0] =	ssyncadd.tile.s32 @!p0 $0x1;
	_ =	shalt  }
.Lfunc_end2:
_tile_overlayer_lowered:
.L_overlay_start_2:
0xfd: {  	(tag) =	ssettag $0x2  }
0xfe: {  	s0 =	rddreg [dreg:$0x0];
	s2 =	stileid.u32  }
0xff: {  	s1 =	rddreg [dreg:$0x1];
	p0 =	sne.s32 s2, $0x0  }
0x100: {  	s3 =	rddreg [dreg:$0x2];
	[bflag:$0x3] =	sbarrier.arrive $0xFFFF;
	s2 =	simm.s32 @!p0 $0x1C01  }
0x101: {  	[timem:s3], [sflag:s2] =	dma.local @!p0 [hbm:s0], s1  }
0x102: {  	s0 =	simm.s32 @!p0 $0x1  }
0x103: {  	_ =	swait.ge @!p0 [sflag:s0], s1  }
0x104: {  	s1 =	ssub.s32 @!p0 $0x0, s1;
	[sflag:s0] =	ssyncset.done @!p0 $0x0  }
0x105: {  	[sflag:s0] =	ssyncadd.s32 @!p0 s1  }
0x106: {  	[bflag:$0x3] =	sbarrier.arrive $0xFFFF  }
0x107: {  	_ =	shalt  }

</sc_bundles>
